<compile_context>
chip_gen: v7x
topology: tpu7x:2x2x1
jax: 0.10.2.dev20260603
libtpu: 0.0.44.dev20260713+nightly
codegen_flags: <defaults>
</compile_context>

<pallas_src>
import functools

import jax
import jax.numpy as jnp
from jax import lax
from jax.experimental import pallas as pl
from jax.experimental.pallas import tpu as pltpu
from jax.experimental.pallas import tpu_sc as plsc

N = 10000
E = 160000
H = 128
NCOMBO = 4
NSUB = 16
EPS = E // NSUB
B = 80
CHUNKS = EPS // B
NPS = N // NSUB
AW = H + 16


def _proj_body(x_ref, wl_ref, wr_ref, bl_ref, br_ref, xl_ref, xr_ref):
    xb = x_ref[...]
    xl_ref[...] = jnp.dot(xb, wl_ref[...], preferred_element_type=jnp.float32) + bl_ref[0]
    xr_ref[...] = jnp.dot(xb, wr_ref[...], preferred_element_type=jnp.float32) + br_ref[0]


def _project(x, wl_cat, wr_cat, bl_cat, br_cat):
    R = 1000
    grid = (N // R, NCOMBO)
    return pl.pallas_call(
        _proj_body,
        grid=grid,
        in_specs=[
            pl.BlockSpec((R, H), lambda i, j: (i, 0)),
            pl.BlockSpec((H, H), lambda i, j: (0, j)),
            pl.BlockSpec((H, H), lambda i, j: (0, j)),
            pl.BlockSpec((1, 1, H), lambda i, j: (j, 0, 0)),
            pl.BlockSpec((1, 1, H), lambda i, j: (j, 0, 0)),
        ],
        out_specs=[
            pl.BlockSpec((R, H), lambda i, j: (j * (N // R) + i, 0)),
            pl.BlockSpec((R, H), lambda i, j: (j * (N // R) + i, 0)),
        ],
        out_shape=[
            jax.ShapeDtypeStruct((NCOMBO * N, H), jnp.float32),
            jax.ShapeDtypeStruct((NCOMBO * N, H), jnp.float32),
        ],
    )(x, wl_cat, wr_cat, bl_cat, br_cat)


def _sc_body(xl_hbm, xr_hbm, src_hbm, dst_hbm, att_hbm, acc_hbm,
             src_v, dst_v, asrc_v, adst_v, xl_rows, xr_rows, out_rows,
             att_v, accum_sh, sem_l, sem_r):
    c = lax.axis_index("c")
    s = lax.axis_index("s")
    zero16 = jnp.zeros((16,), jnp.float32)

    for layer in range(2):
        combo = layer * 2 + c

        def zfill(r, carry):
            for kk in range(AW // 16):
                out_rows[r, pl.ds(16 * kk, 16)] = zero16
            return carry

        lax.fori_loop(0, B, zfill, 0)
        for z in range(NPS // B):
            pltpu.sync_copy(out_rows, accum_sh.at[pl.ds(s * NPS + z * B, B)])
        pltpu.sync_copy(out_rows.at[pl.ds(0, NPS % B)],
                        accum_sh.at[pl.ds(s * NPS + (NPS // B) * B, NPS % B)])
        pltpu.sync_copy(att_hbm.at[combo], att_v)
        plsc.subcore_barrier()

        base = layer * E + s * EPS

        def chunk_body(k, carry):
            off = base + k * B
            pltpu.sync_copy(src_hbm.at[pl.ds(off, B)], src_v)
            pltpu.sync_copy(dst_hbm.at[pl.ds(off, B)], dst_v)
            for j in range(B // 16):
                sl = pl.ds(16 * j, 16)
                asrc_v[sl] = src_v[sl] + combo * N
                adst_v[sl] = dst_v[sl] + combo * N
            pltpu.async_copy(xl_hbm.at[asrc_v], xl_rows, sem_l).wait()
            pltpu.async_copy(xr_hbm.at[adst_v], xr_rows, sem_r).wait()

            def edge_body(e, ecarry):
                acc = zero16
                for kk in range(H // 16):
                    sl = pl.ds(16 * kk, 16)
                    u = xl_rows[e, sl] + xr_rows[e, sl]
                    lr = jnp.maximum(u, 0.0) + 0.2 * jnp.minimum(u, 0.0)
                    acc = acc + lr * att_v[sl]
                logit = jnp.sum(acc)
                p = jnp.exp(jnp.full((16,), logit, jnp.float32))
                for kk in range(H // 16):
                    sl = pl.ds(16 * kk, 16)
                    out_rows[e, sl] = xl_rows[e, sl] * p
                out_rows[e, pl.ds(H, 16)] = p
                return ecarry

            lax.fori_loop(0, B, edge_body, 0)
            pltpu.sync_copy(out_rows, accum_sh.at[dst_v], add=True)
            return carry

        lax.fori_loop(0, CHUNKS, chunk_body, 0)
        plsc.subcore_barrier()

        pltpu.sync_copy(accum_sh.at[pl.ds(s * NPS, NPS)],
                        acc_hbm.at[pl.ds(combo * N + s * NPS, NPS)])
        plsc.subcore_barrier()


def _sc_aggregate(xl, xr, src_all, dst_all, att_all):
    mesh = plsc.VectorSubcoreMesh(core_axis_name="c", subcore_axis_name="s")
    k = pl.kernel(
        _sc_body,
        out_type=jax.ShapeDtypeStruct((NCOMBO * N, AW), jnp.float32),
        mesh=mesh,
        scratch_types=[
            pltpu.VMEM((B,), jnp.int32),
            pltpu.VMEM((B,), jnp.int32),
            pltpu.VMEM((B,), jnp.int32),
            pltpu.VMEM((B,), jnp.int32),
            pltpu.VMEM((B, H), jnp.float32),
            pltpu.VMEM((B, H), jnp.float32),
            pltpu.VMEM((B, AW), jnp.float32),
            pltpu.VMEM((H,), jnp.float32),
            pltpu.VMEM_SHARED((N, AW), jnp.float32),
            pltpu.SemaphoreType.DMA,
            pltpu.SemaphoreType.DMA,
        ],
        compiler_params=pltpu.CompilerParams(
            use_tc_tiling_on_sc=False, needs_layout_passes=False),
    )
    return k(xl, xr, src_all, dst_all, att_all)


def _final_body(acc_ref, bias_ref, wfc_ref, bfc_ref, out_ref):
    j = pl.program_id(1)
    a = acc_ref[:, :H]
    den = acc_ref[:, H:H + 1]
    xq = a / (den + 1e-16) + bias_ref[0]
    t = jnp.dot(xq, wfc_ref[0], preferred_element_type=jnp.float32)

    @pl.when(j == 0)
    def _():
        out_ref[...] = t + bfc_ref[...]

    @pl.when(j > 0)
    def _():
        out_ref[...] = out_ref[...] + t


def _final(acc, bias_cat, wfc3, bfc2):
    R = 1000
    grid = (N // R, NCOMBO)
    return pl.pallas_call(
        _final_body,
        grid=grid,
        in_specs=[
            pl.BlockSpec((R, AW), lambda i, j: (j * (N // R) + i, 0)),
            pl.BlockSpec((1, 1, H), lambda i, j: (j, 0, 0)),
            pl.BlockSpec((1, H, H), lambda i, j: (j, 0, 0)),
            pl.BlockSpec((1, H), lambda i, j: (0, 0)),
        ],
        out_specs=pl.BlockSpec((R, H), lambda i, j: (i, 0)),
        out_shape=jax.ShapeDtypeStruct((N, H), jnp.float32),
    )(acc, bias_cat, wfc3, bfc2)


def kernel(x, edge_index, global_edge_index,
           Wl1, bl1, Wr1, br1, att1, bias1,
           Wl2, bl2, Wr2, br2, att2, bias2,
           Wfc, bfc):
    wl_cat = jnp.concatenate([Wl1, Wl2], axis=1)
    wr_cat = jnp.concatenate([Wr1, Wr2], axis=1)
    bl_cat = jnp.concatenate([bl1, bl2]).reshape(NCOMBO, 1, H)
    br_cat = jnp.concatenate([br1, br2]).reshape(NCOMBO, 1, H)
    att_all = jnp.concatenate([att1, att2], axis=0)
    src_all = jnp.concatenate([edge_index[0], global_edge_index[0]])
    dst_all = jnp.concatenate([edge_index[1], global_edge_index[1]])
    bias_cat = jnp.concatenate([bias1, bias2]).reshape(NCOMBO, 1, H)
    wfc3 = Wfc.reshape(NCOMBO, H, H)
    bfc2 = bfc.reshape(1, H)

    xl, xr = _project(x, wl_cat, wr_cat, bl_cat, br_cat)
    acc = _sc_aggregate(xl, xr, src_all, dst_all, att_all)
    return _final(acc, bias_cat, wfc3, bfc2)

# --- scband reference (transcript-rebuilt; emitter-appended) ---
"""Pipeline reference for scband-mix-gat-48576080118128 (READ-ONLY COPY).

The authoritative reference and input builder live on the scoring server;
editing this copy changes nothing except your own understanding.
"""

import jax, jax.numpy as jnp
import numpy as np

N = 10000
E = 160000
H = 128
LH = 2
GH = 2


def setup_inputs(seed: int = 0) -> dict:
    key = jax.random.key(seed)
    ks = jax.random.split(key, 12)
    def w(k, shape):
        return jax.random.normal(k, shape, dtype=jnp.float32) * 0.05
    x = jax.random.normal(ks[0], (N, H), dtype=jnp.float32)
    edge_index = jax.random.randint(ks[1], (2, E), 0, N, dtype=jnp.int32)
    global_edge_index = jax.random.randint(ks[2], (2, E), 0, N, dtype=jnp.int32)
    return {
        'x': x,
        'edge_index': edge_index,
        'global_edge_index': global_edge_index,
        'Wl1': w(ks[3], (H, LH * H)), 'bl1': jnp.zeros((LH * H,), jnp.float32),
        'Wr1': w(ks[4], (H, LH * H)), 'br1': jnp.zeros((LH * H,), jnp.float32),
        'att1': w(ks[5], (LH, H)), 'bias1': jnp.zeros((LH * H,), jnp.float32),
        'Wl2': w(ks[6], (H, GH * H)), 'bl2': jnp.zeros((GH * H,), jnp.float32),
        'Wr2': w(ks[7], (H, GH * H)), 'br2': jnp.zeros((GH * H,), jnp.float32),
        'att2': w(ks[8], (GH, H)), 'bias2': jnp.zeros((GH * H,), jnp.float32),
        'Wfc': w(ks[9], (H * (LH + GH), H)), 'bfc': jnp.zeros((H,), jnp.float32),
    }


def _gatv2(x, ei, Wl, bl, Wr, br, att, bias, heads, oc):
    # Faithful GATv2Conv (PyG defaults: concat=True, negative_slope=0.2,
    # share_weights=False, add bias at end). Messages flow src -> dst;
    # softmax is over incoming edges of each dst node.
    src = ei[0]
    dst = ei[1]
    n = x.shape[0]
    xl = (x @ Wl + bl).reshape(n, heads, oc)  # lin_l applied to source (x_j)
    xr = (x @ Wr + br).reshape(n, heads, oc)  # lin_r applied to target (x_i)
    xj = xl[src]                               # gather  [E, heads, oc]
    xi = xr[dst]                               # gather  [E, heads, oc]
    e = jax.nn.leaky_relu(xi + xj, 0.2)
    logits = jnp.sum(e * att[None, :, :], axis=-1)  # [E, heads]
    m = jax.ops.segment_max(logits, dst, num_segments=n)
    m = jnp.where(jnp.isfinite(m), m, 0.0)
    p = jnp.exp(logits - m[dst])
    s = jax.ops.segment_sum(p, dst, num_segments=n)
    alpha = p / (s[dst] + 1e-16)
    out = jax.ops.segment_sum(xj * alpha[:, :, None], dst, num_segments=n)
    return out.reshape(n, heads * oc) + bias


def reference(x, edge_index, global_edge_index,
              Wl1, bl1, Wr1, br1, att1, bias1,
              Wl2, bl2, Wr2, br2, att2, bias2,
              Wfc, bfc):
    x1 = _gatv2(x, edge_index, Wl1, bl1, Wr1, br1, att1, bias1, LH, H)
    x2 = _gatv2(x, global_edge_index, Wl2, bl2, Wr2, br2, att2, bias2, GH, H)
    xc = jnp.concatenate([x1, x2], axis=-1)
    return xc @ Wfc + bfc

if __name__ == "__main__":
    import jax
    _d = setup_inputs()
    print(jax.jit(kernel)(*tuple(_d.values())))

</pallas_src>

<mosaic_0001>
#map = affine_map<(d0, d1) -> (0, 0)>
#map1 = affine_map<(d0, d1) -> (0)>
module attributes {stable_mosaic.version = 14 : i64} {
  func.func @_sc_body(%arg0: i32, %arg1: i32, %arg2: memref<40000x128xf32, #tpu.memory_space<hbm>>, %arg3: memref<40000x128xf32, #tpu.memory_space<hbm>>, %arg4: memref<320000xi32, #tpu.memory_space<hbm>>, %arg5: memref<320000xi32, #tpu.memory_space<hbm>>, %arg6: memref<4x128xf32, #tpu.memory_space<hbm>>, %arg7: memref<40000x144xf32, #tpu.memory_space<hbm>>, %arg8: memref<80xi32, #tpu.memory_space<vmem>>, %arg9: memref<80xi32, #tpu.memory_space<vmem>>, %arg10: memref<80xi32, #tpu.memory_space<vmem>>, %arg11: memref<80xi32, #tpu.memory_space<vmem>>, %arg12: memref<80x128xf32, #tpu.memory_space<vmem>>, %arg13: memref<80x128xf32, #tpu.memory_space<vmem>>, %arg14: memref<80x144xf32, #tpu.memory_space<vmem>>, %arg15: memref<128xf32, #tpu.memory_space<vmem>>, %arg16: memref<10000x144xf32, #tpu.memory_space<vmem_shared>>, %arg17: memref<!tpu.dma_semaphore, #tpu.memory_space<semaphore_mem>>, %arg18: memref<!tpu.dma_semaphore, #tpu.memory_space<semaphore_mem>>) attributes {dimension_semantics = [#tpu.dimension_semantics<core_parallel>, #tpu.dimension_semantics<subcore_parallel>], iteration_bounds = array<i64: 2, 16>, scalar_prefetch = 0 : i64, scratch_operands = 11 : i64, tpu.core_type = #tpu.core_type<sc_vector_subcore>, window_params = [{transform_indices = #map}, {transform_indices = #map}, {transform_indices = #map1}, {transform_indices = #map1}, {transform_indices = #map}, {transform_indices = #map}]} {
    %broadcast_in_dim3A = arith.constant 0.000000e+00 : f32
    %broadcast_in_dim3A_0 = vector.broadcast %broadcast_in_dim3A : f32 to vector<16xf32>
    %add3A = arith.constant 0 : i32
    %add3A_1 = arith.addi %add3A, %arg0 : i32
    %scan3A = arith.constant 0 : i32
    %scan3A_2 = arith.constant 0 : i32
    %scan3A_3 = arith.constant 80 : i32
    %scan3A_4 = arith.addi %scan3A_2, %scan3A_3 : i32
    %scan3A_5 = arith.constant 1 : i32
    scf.for %scan3A_117 = %scan3A_2 to %scan3A_4 step %scan3A_5  : i32 {
      %swap3A = arith.index_cast %scan3A_117 : i32 to index
      %swap3A_118 = arith.constant 0 : index
      %swap3A_119 = tpu.vector_load %arg14[%swap3A, %swap3A_118] {strides = array<i32>} : memref<80x144xf32, #tpu.memory_space<vmem>>, vector<16xf32>,
      tpu.vector_store %arg14[%swap3A, %swap3A_118], %broadcast_in_dim3A_0 {strides = array<i32>} : memref<80x144xf32, #tpu.memory_space<vmem>>, vector<16xf32>,
      %swap3A_120 = arith.index_cast %scan3A_117 : i32 to index
      %swap3A_121 = arith.constant 16 : index
      %swap3A_122 = tpu.vector_load %arg14[%swap3A_120, %swap3A_121] {strides = array<i32>} : memref<80x144xf32, #tpu.memory_space<vmem>>, vector<16xf32>,
      tpu.vector_store %arg14[%swap3A_120, %swap3A_121], %broadcast_in_dim3A_0 {strides = array<i32>} : memref<80x144xf32, #tpu.memory_space<vmem>>, vector<16xf32>,
      %swap3A_123 = arith.index_cast %scan3A_117 : i32 to index
      %swap3A_124 = arith.constant 32 : index
      %swap3A_125 = tpu.vector_load %arg14[%swap3A_123, %swap3A_124] {strides = array<i32>} : memref<80x144xf32, #tpu.memory_space<vmem>>, vector<16xf32>,
      tpu.vector_store %arg14[%swap3A_123, %swap3A_124], %broadcast_in_dim3A_0 {strides = array<i32>} : memref<80x144xf32, #tpu.memory_space<vmem>>, vector<16xf32>,
      %swap3A_126 = arith.index_cast %scan3A_117 : i32 to index
      %swap3A_127 = arith.constant 48 : index
      %swap3A_128 = tpu.vector_load %arg14[%swap3A_126, %swap3A_127] {strides = array<i32>} : memref<80x144xf32, #tpu.memory_space<vmem>>, vector<16xf32>,
      tpu.vector_store %arg14[%swap3A_126, %swap3A_127], %broadcast_in_dim3A_0 {strides = array<i32>} : memref<80x144xf32, #tpu.memory_space<vmem>>, vector<16xf32>,
      %swap3A_129 = arith.index_cast %scan3A_117 : i32 to index
      %swap3A_130 = arith.constant 64 : index
      %swap3A_131 = tpu.vector_load %arg14[%swap3A_129, %swap3A_130] {strides = array<i32>} : memref<80x144xf32, #tpu.memory_space<vmem>>, vector<16xf32>,
      tpu.vector_store %arg14[%swap3A_129, %swap3A_130], %broadcast_in_dim3A_0 {strides = array<i32>} : memref<80x144xf32, #tpu.memory_space<vmem>>, vector<16xf32>,
      %swap3A_132 = arith.index_cast %scan3A_117 : i32 to index
      %swap3A_133 = arith.constant 80 : index
      %swap3A_134 = tpu.vector_load %arg14[%swap3A_132, %swap3A_133] {strides = array<i32>} : memref<80x144xf32, #tpu.memory_space<vmem>>, vector<16xf32>,
      tpu.vector_store %arg14[%swap3A_132, %swap3A_133], %broadcast_in_dim3A_0 {strides = array<i32>} : memref<80x144xf32, #tpu.memory_space<vmem>>, vector<16xf32>,
      %swap3A_135 = arith.index_cast %scan3A_117 : i32 to index
      %swap3A_136 = arith.constant 96 : index
      %swap3A_137 = tpu.vector_load %arg14[%swap3A_135, %swap3A_136] {strides = array<i32>} : memref<80x144xf32, #tpu.memory_space<vmem>>, vector<16xf32>,
      tpu.vector_store %arg14[%swap3A_135, %swap3A_136], %broadcast_in_dim3A_0 {strides = array<i32>} : memref<80x144xf32, #tpu.memory_space<vmem>>, vector<16xf32>,
      %swap3A_138 = arith.index_cast %scan3A_117 : i32 to index
      %swap3A_139 = arith.constant 112 : index
      %swap3A_140 = tpu.vector_load %arg14[%swap3A_138, %swap3A_139] {strides = array<i32>} : memref<80x144xf32, #tpu.memory_space<vmem>>, vector<16xf32>,
      tpu.vector_store %arg14[%swap3A_138, %swap3A_139], %broadcast_in_dim3A_0 {strides = array<i32>} : memref<80x144xf32, #tpu.memory_space<vmem>>, vector<16xf32>,
      %swap3A_141 = arith.index_cast %scan3A_117 : i32 to index
      %swap3A_142 = arith.constant 128 : index
      %swap3A_143 = tpu.vector_load %arg14[%swap3A_141, %swap3A_142] {strides = array<i32>} : memref<80x144xf32, #tpu.memory_space<vmem>>, vector<16xf32>,
      tpu.vector_store %arg14[%swap3A_141, %swap3A_142], %broadcast_in_dim3A_0 {strides = array<i32>} : memref<80x144xf32, #tpu.memory_space<vmem>>, vector<16xf32>,
    }
    %scan3A_6 = arith.constant 80 : i32
    %mul3A = arith.constant 625 : i32
    %mul3A_7 = arith.muli %arg1, %mul3A : i32
    %add3A_8 = arith.constant 0 : i32
    %add3A_9 = arith.addi %mul3A_7, %add3A_8 : i32
    "tpu.region"() ({
      %run_scoped3A = tpu.sem_alloc : memref<!tpu.dma_semaphore, #tpu.memory_space<semaphore_mem>>
      %dma_start3A = arith.constant 0 : i32
      %dma_start3A_117 = tpu.memref_slice %arg16[%add3A_9, %dma_start3A] : memref<10000x144xf32, #tpu.memory_space<vmem_shared>> -> memref<80x144xf32, #tpu.memory_space<vmem_shared>>
      %dma_start3A_118 = arith.constant 0 : i32
      %dma_start3A_119 = tpu.memref_slice %arg16[%add3A_9, %dma_start3A_118] : memref<10000x144xf32, #tpu.memory_space<vmem_shared>> -> memref<80x144xf32, #tpu.memory_space<vmem_shared>>
      tpu.enqueue_dma source(%arg14 : memref<80x144xf32, #tpu.memory_space<vmem>>) target(%dma_start3A_119 : memref<80x144xf32, #tpu.memory_space<vmem_shared>>) target_semaphore(%run_scoped3A : memref<!tpu.dma_semaphore, #tpu.memory_space<semaphore_mem>>)
      %dma_wait3A = arith.constant 0 : i32
      %dma_wait3A_120 = tpu.memref_slice %arg16[%add3A_9, %dma_wait3A] : memref<10000x144xf32, #tpu.memory_space<vmem_shared>> -> memref<80x144xf32, #tpu.memory_space<vmem_shared>>
      %dma_wait3A_121 = arith.constant 0 : i32
      %dma_wait3A_122 = tpu.memref_slice %arg16[%add3A_9, %dma_wait3A_121] : memref<10000x144xf32, #tpu.memory_space<vmem_shared>> -> memref<80x144xf32, #tpu.memory_space<vmem_shared>>
      tpu.wait_dma2 semaphore(%run_scoped3A : memref<!tpu.dma_semaphore, #tpu.memory_space<semaphore_mem>>) src(%arg14 : memref<80x144xf32, #tpu.memory_space<vmem>>) dst(%dma_wait3A_122 : memref<80x144xf32, #tpu.memory_space<vmem_shared>>)
      tpu.yield
    }) : () -> ()
    %mul3A_10 = arith.constant 625 : i32
    %mul3A_11 = arith.muli %arg1, %mul3A_10 : i32
    %add3A_12 = arith.constant 80 : i32
    %add3A_13 = arith.addi %mul3A_11, %add3A_12 : i32
    "tpu.region"() ({
      %run_scoped3A = tpu.sem_alloc : memref<!tpu.dma_semaphore, #tpu.memory_space<semaphore_mem>>
      %dma_start3A = arith.constant 0 : i32
      %dma_start3A_117 = tpu.memref_slice %arg16[%add3A_13, %dma_start3A] : memref<10000x144xf32, #tpu.memory_space<vmem_shared>> -> memref<80x144xf32, #tpu.memory_space<vmem_shared>>
      %dma_start3A_118 = arith.constant 0 : i32
      %dma_start3A_119 = tpu.memref_slice %arg16[%add3A_13, %dma_start3A_118] : memref<10000x144xf32, #tpu.memory_space<vmem_shared>> -> memref<80x144xf32, #tpu.memory_space<vmem_shared>>
      tpu.enqueue_dma source(%arg14 : memref<80x144xf32, #tpu.memory_space<vmem>>) target(%dma_start3A_119 : memref<80x144xf32, #tpu.memory_space<vmem_shared>>) target_semaphore(%run_scoped3A : memref<!tpu.dma_semaphore, #tpu.memory_space<semaphore_mem>>)
      %dma_wait3A = arith.constant 0 : i32
      %dma_wait3A_120 = tpu.memref_slice %arg16[%add3A_13, %dma_wait3A] : memref<10000x144xf32, #tpu.memory_space<vmem_shared>> -> memref<80x144xf32, #tpu.memory_space<vmem_shared>>
      %dma_wait3A_121 = arith.constant 0 : i32
      %dma_wait3A_122 = tpu.memref_slice %arg16[%add3A_13, %dma_wait3A_121] : memref<10000x144xf32, #tpu.memory_space<vmem_shared>> -> memref<80x144xf32, #tpu.memory_space<vmem_shared>>
      tpu.wait_dma2 semaphore(%run_scoped3A : memref<!tpu.dma_semaphore, #tpu.memory_space<semaphore_mem>>) src(%arg14 : memref<80x144xf32, #tpu.memory_space<vmem>>) dst(%dma_wait3A_122 : memref<80x144xf32, #tpu.memory_space<vmem_shared>>)
      tpu.yield
    }) : () -> ()
    %mul3A_14 = arith.constant 625 : i32
    %mul3A_15 = arith.muli %arg1, %mul3A_14 : i32
    %add3A_16 = arith.constant 160 : i32
    %add3A_17 = arith.addi %mul3A_15, %add3A_16 : i32
    "tpu.region"() ({
      %run_scoped3A = tpu.sem_alloc : memref<!tpu.dma_semaphore, #tpu.memory_space<semaphore_mem>>
      %dma_start3A = arith.constant 0 : i32
      %dma_start3A_117 = tpu.memref_slice %arg16[%add3A_17, %dma_start3A] : memref<10000x144xf32, #tpu.memory_space<vmem_shared>> -> memref<80x144xf32, #tpu.memory_space<vmem_shared>>
      %dma_start3A_118 = arith.constant 0 : i32
      %dma_start3A_119 = tpu.memref_slice %arg16[%add3A_17, %dma_start3A_118] : memref<10000x144xf32, #tpu.memory_space<vmem_shared>> -> memref<80x144xf32, #tpu.memory_space<vmem_shared>>
      tpu.enqueue_dma source(%arg14 : memref<80x144xf32, #tpu.memory_space<vmem>>) target(%dma_start3A_119 : memref<80x144xf32, #tpu.memory_space<vmem_shared>>) target_semaphore(%run_scoped3A : memref<!tpu.dma_semaphore, #tpu.memory_space<semaphore_mem>>)
      %dma_wait3A = arith.constant 0 : i32
      %dma_wait3A_120 = tpu.memref_slice %arg16[%add3A_17, %dma_wait3A] : memref<10000x144xf32, #tpu.memory_space<vmem_shared>> -> memref<80x144xf32, #tpu.memory_space<vmem_shared>>
      %dma_wait3A_121 = arith.constant 0 : i32
      %dma_wait3A_122 = tpu.memref_slice %arg16[%add3A_17, %dma_wait3A_121] : memref<10000x144xf32, #tpu.memory_space<vmem_shared>> -> memref<80x144xf32, #tpu.memory_space<vmem_shared>>
      tpu.wait_dma2 semaphore(%run_scoped3A : memref<!tpu.dma_semaphore, #tpu.memory_space<semaphore_mem>>) src(%arg14 : memref<80x144xf32, #tpu.memory_space<vmem>>) dst(%dma_wait3A_122 : memref<80x144xf32, #tpu.memory_space<vmem_shared>>)
      tpu.yield
    }) : () -> ()
    %mul3A_18 = arith.constant 625 : i32
    %mul3A_19 = arith.muli %arg1, %mul3A_18 : i32
    %add3A_20 = arith.constant 240 : i32
    %add3A_21 = arith.addi %mul3A_19, %add3A_20 : i32
    "tpu.region"() ({
      %run_scoped3A = tpu.sem_alloc : memref<!tpu.dma_semaphore, #tpu.memory_space<semaphore_mem>>
      %dma_start3A = arith.constant 0 : i32
      %dma_start3A_117 = tpu.memref_slice %arg16[%add3A_21, %dma_start3A] : memref<10000x144xf32, #tpu.memory_space<vmem_shared>> -> memref<80x144xf32, #tpu.memory_space<vmem_shared>>
      %dma_start3A_118 = arith.constant 0 : i32
      %dma_start3A_119 = tpu.memref_slice %arg16[%add3A_21, %dma_start3A_118] : memref<10000x144xf32, #tpu.memory_space<vmem_shared>> -> memref<80x144xf32, #tpu.memory_space<vmem_shared>>
      tpu.enqueue_dma source(%arg14 : memref<80x144xf32, #tpu.memory_space<vmem>>) target(%dma_start3A_119 : memref<80x144xf32, #tpu.memory_space<vmem_shared>>) target_semaphore(%run_scoped3A : memref<!tpu.dma_semaphore, #tpu.memory_space<semaphore_mem>>)
      %dma_wait3A = arith.constant 0 : i32
      %dma_wait3A_120 = tpu.memref_slice %arg16[%add3A_21, %dma_wait3A] : memref<10000x144xf32, #tpu.memory_space<vmem_shared>> -> memref<80x144xf32, #tpu.memory_space<vmem_shared>>
      %dma_wait3A_121 = arith.constant 0 : i32
      %dma_wait3A_122 = tpu.memref_slice %arg16[%add3A_21, %dma_wait3A_121] : memref<10000x144xf32, #tpu.memory_space<vmem_shared>> -> memref<80x144xf32, #tpu.memory_space<vmem_shared>>
      tpu.wait_dma2 semaphore(%run_scoped3A : memref<!tpu.dma_semaphore, #tpu.memory_space<semaphore_mem>>) src(%arg14 : memref<80x144xf32, #tpu.memory_space<vmem>>) dst(%dma_wait3A_122 : memref<80x144xf32, #tpu.memory_space<vmem_shared>>)
      tpu.yield
    }) : () -> ()
    %mul3A_22 = arith.constant 625 : i32
    %mul3A_23 = arith.muli %arg1, %mul3A_22 : i32
    %add3A_24 = arith.constant 320 : i32
    %add3A_25 = arith.addi %mul3A_23, %add3A_24 : i32
    "tpu.region"() ({
      %run_scoped3A = tpu.sem_alloc : memref<!tpu.dma_semaphore, #tpu.memory_space<semaphore_mem>>
      %dma_start3A = arith.constant 0 : i32
      %dma_start3A_117 = tpu.memref_slice %arg16[%add3A_25, %dma_start3A] : memref<10000x144xf32, #tpu.memory_space<vmem_shared>> -> memref<80x144xf32, #tpu.memory_space<vmem_shared>>
      %dma_start3A_118 = arith.constant 0 : i32
      %dma_start3A_119 = tpu.memref_slice %arg16[%add3A_25, %dma_start3A_118] : memref<10000x144xf32, #tpu.memory_space<vmem_shared>> -> memref<80x144xf32, #tpu.memory_space<vmem_shared>>
      tpu.enqueue_dma source(%arg14 : memref<80x144xf32, #tpu.memory_space<vmem>>) target(%dma_start3A_119 : memref<80x144xf32, #tpu.memory_space<vmem_shared>>) target_semaphore(%run_scoped3A : memref<!tpu.dma_semaphore, #tpu.memory_space<semaphore_mem>>)
      %dma_wait3A = arith.constant 0 : i32
      %dma_wait3A_120 = tpu.memref_slice %arg16[%add3A_25, %dma_wait3A] : memref<10000x144xf32, #tpu.memory_space<vmem_shared>> -> memref<80x144xf32, #tpu.memory_space<vmem_shared>>
      %dma_wait3A_121 = arith.constant 0 : i32
      %dma_wait3A_122 = tpu.memref_slice %arg16[%add3A_25, %dma_wait3A_121] : memref<10000x144xf32, #tpu.memory_space<vmem_shared>> -> memref<80x144xf32, #tpu.memory_space<vmem_shared>>
      tpu.wait_dma2 semaphore(%run_scoped3A : memref<!tpu.dma_semaphore, #tpu.memory_space<semaphore_mem>>) src(%arg14 : memref<80x144xf32, #tpu.memory_space<vmem>>) dst(%dma_wait3A_122 : memref<80x144xf32, #tpu.memory_space<vmem_shared>>)
      tpu.yield
    }) : () -> ()
    %mul3A_26 = arith.constant 625 : i32
    %mul3A_27 = arith.muli %arg1, %mul3A_26 : i32
    %add3A_28 = arith.constant 400 : i32
    %add3A_29 = arith.addi %mul3A_27, %add3A_28 : i32
    "tpu.region"() ({
      %run_scoped3A = tpu.sem_alloc : memref<!tpu.dma_semaphore, #tpu.memory_space<semaphore_mem>>
      %dma_start3A = arith.constant 0 : i32
      %dma_start3A_117 = tpu.memref_slice %arg16[%add3A_29, %dma_start3A] : memref<10000x144xf32, #tpu.memory_space<vmem_shared>> -> memref<80x144xf32, #tpu.memory_space<vmem_shared>>
      %dma_start3A_118 = arith.constant 0 : i32
      %dma_start3A_119 = tpu.memref_slice %arg16[%add3A_29, %dma_start3A_118] : memref<10000x144xf32, #tpu.memory_space<vmem_shared>> -> memref<80x144xf32, #tpu.memory_space<vmem_shared>>
      tpu.enqueue_dma source(%arg14 : memref<80x144xf32, #tpu.memory_space<vmem>>) target(%dma_start3A_119 : memref<80x144xf32, #tpu.memory_space<vmem_shared>>) target_semaphore(%run_scoped3A : memref<!tpu.dma_semaphore, #tpu.memory_space<semaphore_mem>>)
      %dma_wait3A = arith.constant 0 : i32
      %dma_wait3A_120 = tpu.memref_slice %arg16[%add3A_29, %dma_wait3A] : memref<10000x144xf32, #tpu.memory_space<vmem_shared>> -> memref<80x144xf32, #tpu.memory_space<vmem_shared>>
      %dma_wait3A_121 = arith.constant 0 : i32
      %dma_wait3A_122 = tpu.memref_slice %arg16[%add3A_29, %dma_wait3A_121] : memref<10000x144xf32, #tpu.memory_space<vmem_shared>> -> memref<80x144xf32, #tpu.memory_space<vmem_shared>>
      tpu.wait_dma2 semaphore(%run_scoped3A : memref<!tpu.dma_semaphore, #tpu.memory_space<semaphore_mem>>) src(%arg14 : memref<80x144xf32, #tpu.memory_space<vmem>>) dst(%dma_wait3A_122 : memref<80x144xf32, #tpu.memory_space<vmem_shared>>)
      tpu.yield
    }) : () -> ()
    %mul3A_30 = arith.constant 625 : i32
    %mul3A_31 = arith.muli %arg1, %mul3A_30 : i32
    %add3A_32 = arith.constant 480 : i32
    %add3A_33 = arith.addi %mul3A_31, %add3A_32 : i32
    "tpu.region"() ({
      %run_scoped3A = tpu.sem_alloc : memref<!tpu.dma_semaphore, #tpu.memory_space<semaphore_mem>>
      %dma_start3A = arith.constant 0 : i32
      %dma_start3A_117 = tpu.memref_slice %arg16[%add3A_33, %dma_start3A] : memref<10000x144xf32, #tpu.memory_space<vmem_shared>> -> memref<80x144xf32, #tpu.memory_space<vmem_shared>>
      %dma_start3A_118 = arith.constant 0 : i32
      %dma_start3A_119 = tpu.memref_slice %arg16[%add3A_33, %dma_start3A_118] : memref<10000x144xf32, #tpu.memory_space<vmem_shared>> -> memref<80x144xf32, #tpu.memory_space<vmem_shared>>
      tpu.enqueue_dma source(%arg14 : memref<80x144xf32, #tpu.memory_space<vmem>>) target(%dma_start3A_119 : memref<80x144xf32, #tpu.memory_space<vmem_shared>>) target_semaphore(%run_scoped3A : memref<!tpu.dma_semaphore, #tpu.memory_space<semaphore_mem>>)
      %dma_wait3A = arith.constant 0 : i32
      %dma_wait3A_120 = tpu.memref_slice %arg16[%add3A_33, %dma_wait3A] : memref<10000x144xf32, #tpu.memory_space<vmem_shared>> -> memref<80x144xf32, #tpu.memory_space<vmem_shared>>
      %dma_wait3A_121 = arith.constant 0 : i32
      %dma_wait3A_122 = tpu.memref_slice %arg16[%add3A_33, %dma_wait3A_121] : memref<10000x144xf32, #tpu.memory_space<vmem_shared>> -> memref<80x144xf32, #tpu.memory_space<vmem_shared>>
      tpu.wait_dma2 semaphore(%run_scoped3A : memref<!tpu.dma_semaphore, #tpu.memory_space<semaphore_mem>>) src(%arg14 : memref<80x144xf32, #tpu.memory_space<vmem>>) dst(%dma_wait3A_122 : memref<80x144xf32, #tpu.memory_space<vmem_shared>>)
      tpu.yield
    }) : () -> ()
    %mul3A_34 = arith.constant 625 : i32
    %mul3A_35 = arith.muli %arg1, %mul3A_34 : i32
    %add3A_36 = arith.constant 560 : i32
    %add3A_37 = arith.addi %mul3A_35, %add3A_36 : i32
    "tpu.region"() ({
      %run_scoped3A = tpu.sem_alloc : memref<!tpu.dma_semaphore, #tpu.memory_space<semaphore_mem>>
      %dma_start3A = arith.constant 0 : i32
      %dma_start3A_117 = arith.constant 0 : i32
      %dma_start3A_118 = tpu.memref_slice %arg14[%dma_start3A, %dma_start3A_117] : memref<80x144xf32, #tpu.memory_space<vmem>> -> memref<65x144xf32, #tpu.memory_space<vmem>>
      %dma_start3A_119 = arith.constant 0 : i32
      %dma_start3A_120 = tpu.memref_slice %arg16[%add3A_37, %dma_start3A_119] : memref<10000x144xf32, #tpu.memory_space<vmem_shared>> -> memref<65x144xf32, #tpu.memory_space<vmem_shared>>
      %dma_start3A_121 = arith.constant 0 : i32
      %dma_start3A_122 = tpu.memref_slice %arg16[%add3A_37, %dma_start3A_121] : memref<10000x144xf32, #tpu.memory_space<vmem_shared>> -> memref<65x144xf32, #tpu.memory_space<vmem_shared>>
      %dma_start3A_123 = arith.constant 0 : i32
      %dma_start3A_124 = arith.constant 0 : i32
      %dma_start3A_125 = tpu.memref_slice %arg14[%dma_start3A_123, %dma_start3A_124] : memref<80x144xf32, #tpu.memory_space<vmem>> -> memref<65x144xf32, #tpu.memory_space<vmem>>
      tpu.enqueue_dma source(%dma_start3A_125 : memref<65x144xf32, #tpu.memory_space<vmem>>) target(%dma_start3A_122 : memref<65x144xf32, #tpu.memory_space<vmem_shared>>) target_semaphore(%run_scoped3A : memref<!tpu.dma_semaphore, #tpu.memory_space<semaphore_mem>>)
      %dma_wait3A = arith.constant 0 : i32
      %dma_wait3A_126 = arith.constant 0 : i32
      %dma_wait3A_127 = tpu.memref_slice %arg14[%dma_wait3A, %dma_wait3A_126] : memref<80x144xf32, #tpu.memory_space<vmem>> -> memref<65x144xf32, #tpu.memory_space<vmem>>
      %dma_wait3A_128 = arith.constant 0 : i32
      %dma_wait3A_129 = tpu.memref_slice %arg16[%add3A_37, %dma_wait3A_128] : memref<10000x144xf32, #tpu.memory_space<vmem_shared>> -> memref<65x144xf32, #tpu.memory_space<vmem_shared>>
      %dma_wait3A_130 = arith.constant 0 : i32
      %dma_wait3A_131 = tpu.memref_slice %arg16[%add3A_37, %dma_wait3A_130] : memref<10000x144xf32, #tpu.memory_space<vmem_shared>> -> memref<65x144xf32, #tpu.memory_space<vmem_shared>>
      %dma_wait3A_132 = arith.constant 0 : i32
      %dma_wait3A_133 = arith.constant 0 : i32
      %dma_wait3A_134 = tpu.memref_slice %arg14[%dma_wait3A_132, %dma_wait3A_133] : memref<80x144xf32, #tpu.memory_space<vmem>> -> memref<65x144xf32, #tpu.memory_space<vmem>>
      tpu.wait_dma2 semaphore(%run_scoped3A : memref<!tpu.dma_semaphore, #tpu.memory_space<semaphore_mem>>) src(%dma_wait3A_134 : memref<65x144xf32, #tpu.memory_space<vmem>>) dst(%dma_wait3A_131 : memref<65x144xf32, #tpu.memory_space<vmem_shared>>)
      tpu.yield
    }) : () -> ()
    "tpu.region"() ({
      %run_scoped3A = tpu.sem_alloc : memref<!tpu.dma_semaphore, #tpu.memory_space<semaphore_mem>>
      %dma_start3A = arith.constant 0 : i32
      %dma_start3A_117 = tpu.memref_slice %arg6[%add3A_1, %dma_start3A] : memref<4x128xf32, #tpu.memory_space<hbm>> -> memref<1x128xf32, #tpu.memory_space<hbm>>
      %dma_start3A_118 = tpu.memref_squeeze %dma_start3A_117 : memref<1x128xf32, #tpu.memory_space<hbm>> -> memref<128xf32, #tpu.memory_space<hbm>>
      %dma_start3A_119 = arith.constant 0 : i32
      %dma_start3A_120 = tpu.memref_slice %arg6[%add3A_1, %dma_start3A_119] : memref<4x128xf32, #tpu.memory_space<hbm>> -> memref<1x128xf32, #tpu.memory_space<hbm>>
      %dma_start3A_121 = tpu.memref_squeeze %dma_start3A_120 : memref<1x128xf32, #tpu.memory_space<hbm>> -> memref<128xf32, #tpu.memory_space<hbm>>
      tpu.enqueue_dma source(%dma_start3A_121 : memref<128xf32, #tpu.memory_space<hbm>>) target(%arg15 : memref<128xf32, #tpu.memory_space<vmem>>) target_semaphore(%run_scoped3A : memref<!tpu.dma_semaphore, #tpu.memory_space<semaphore_mem>>)
      %dma_wait3A = arith.constant 0 : i32
      %dma_wait3A_122 = tpu.memref_slice %arg6[%add3A_1, %dma_wait3A] : memref<4x128xf32, #tpu.memory_space<hbm>> -> memref<1x128xf32, #tpu.memory_space<hbm>>
      %dma_wait3A_123 = tpu.memref_squeeze %dma_wait3A_122 : memref<1x128xf32, #tpu.memory_space<hbm>> -> memref<128xf32, #tpu.memory_space<hbm>>
      %dma_wait3A_124 = arith.constant 0 : i32
      %dma_wait3A_125 = tpu.memref_slice %arg6[%add3A_1, %dma_wait3A_124] : memref<4x128xf32, #tpu.memory_space<hbm>> -> memref<1x128xf32, #tpu.memory_space<hbm>>
      %dma_wait3A_126 = tpu.memref_squeeze %dma_wait3A_125 : memref<1x128xf32, #tpu.memory_space<hbm>> -> memref<128xf32, #tpu.memory_space<hbm>>
      tpu.wait_dma2 semaphore(%run_scoped3A : memref<!tpu.dma_semaphore, #tpu.memory_space<semaphore_mem>>) src(%dma_wait3A_126 : memref<128xf32, #tpu.memory_space<hbm>>) dst(%arg15 : memref<128xf32, #tpu.memory_space<vmem>>)
      tpu.yield
    }) : () -> ()
    %barrier3A = arith.constant 0 : index
    tpu.barrier barrier_id(%barrier3A)
    %mul3A_38 = arith.constant 10000 : i32
    %mul3A_39 = arith.muli %arg1, %mul3A_38 : i32
    %add3A_40 = arith.constant 0 : i32
    %add3A_41 = arith.addi %add3A_40, %mul3A_39 : i32
    %scan3A_42 = arith.constant 0 : i32
    %scan3A_43 = arith.constant 0 : i32
    %scan3A_44 = arith.constant 125 : i32
    %scan3A_45 = arith.addi %scan3A_43, %scan3A_44 : i32
    %scan3A_46 = arith.constant 1 : i32
    scf.for %scan3A_117 = %scan3A_43 to %scan3A_45 step %scan3A_46  : i32 {
      %mul3A_118 = arith.constant 80 : i32
      %mul3A_119 = arith.muli %scan3A_117, %mul3A_118 : i32
      %add3A_120 = arith.addi %add3A_41, %mul3A_119 : i32
      "tpu.region"() ({
        %run_scoped3A = tpu.sem_alloc : memref<!tpu.dma_semaphore, #tpu.memory_space<semaphore_mem>>
        %dma_start3A_215 = tpu.memref_slice %arg4[%add3A_120] : memref<320000xi32, #tpu.memory_space<hbm>> -> memref<80xi32, #tpu.memory_space<hbm>>
        %dma_start3A_216 = tpu.memref_slice %arg4[%add3A_120] : memref<320000xi32, #tpu.memory_space<hbm>> -> memref<80xi32, #tpu.memory_space<hbm>>
        tpu.enqueue_dma source(%dma_start3A_216 : memref<80xi32, #tpu.memory_space<hbm>>) target(%arg8 : memref<80xi32, #tpu.memory_space<vmem>>) target_semaphore(%run_scoped3A : memref<!tpu.dma_semaphore, #tpu.memory_space<semaphore_mem>>)
        %dma_wait3A_217 = tpu.memref_slice %arg4[%add3A_120] : memref<320000xi32, #tpu.memory_space<hbm>> -> memref<80xi32, #tpu.memory_space<hbm>>
        %dma_wait3A_218 = tpu.memref_slice %arg4[%add3A_120] : memref<320000xi32, #tpu.memory_space<hbm>> -> memref<80xi32, #tpu.memory_space<hbm>>
        tpu.wait_dma2 semaphore(%run_scoped3A : memref<!tpu.dma_semaphore, #tpu.memory_space<semaphore_mem>>) src(%dma_wait3A_218 : memref<80xi32, #tpu.memory_space<hbm>>) dst(%arg8 : memref<80xi32, #tpu.memory_space<vmem>>)
        tpu.yield
      }) : () -> ()
      "tpu.region"() ({
        %run_scoped3A = tpu.sem_alloc : memref<!tpu.dma_semaphore, #tpu.memory_space<semaphore_mem>>
        %dma_start3A_215 = tpu.memref_slice %arg5[%add3A_120] : memref<320000xi32, #tpu.memory_space<hbm>> -> memref<80xi32, #tpu.memory_space<hbm>>
        %dma_start3A_216 = tpu.memref_slice %arg5[%add3A_120] : memref<320000xi32, #tpu.memory_space<hbm>> -> memref<80xi32, #tpu.memory_space<hbm>>
        tpu.enqueue_dma source(%dma_start3A_216 : memref<80xi32, #tpu.memory_space<hbm>>) target(%arg9 : memref<80xi32, #tpu.memory_space<vmem>>) target_semaphore(%run_scoped3A : memref<!tpu.dma_semaphore, #tpu.memory_space<semaphore_mem>>)
        %dma_wait3A_217 = tpu.memref_slice %arg5[%add3A_120] : memref<320000xi32, #tpu.memory_space<hbm>> -> memref<80xi32, #tpu.memory_space<hbm>>
        %dma_wait3A_218 = tpu.memref_slice %arg5[%add3A_120] : memref<320000xi32, #tpu.memory_space<hbm>> -> memref<80xi32, #tpu.memory_space<hbm>>
        tpu.wait_dma2 semaphore(%run_scoped3A : memref<!tpu.dma_semaphore, #tpu.memory_space<semaphore_mem>>) src(%dma_wait3A_218 : memref<80xi32, #tpu.memory_space<hbm>>) dst(%arg9 : memref<80xi32, #tpu.memory_space<vmem>>)
        tpu.yield
      }) : () -> ()
      %get3A = arith.constant 0 : index
      %get3A_121 = tpu.vector_load %arg8[%get3A] {strides = array<i32>} : memref<80xi32, #tpu.memory_space<vmem>>, vector<16xi32>,
      %mul3A_122 = arith.constant 10000 : i32
      %mul3A_123 = arith.muli %add3A_1, %mul3A_122 : i32
      %add3A_124 = vector.broadcast %mul3A_123 : i32 to vector<16xi32>
      %add3A_125 = arith.addi %get3A_121, %add3A_124 : vector<16xi32>
      %swap3A = arith.constant 0 : index
      %swap3A_126 = tpu.vector_load %arg10[%swap3A] {strides = array<i32>} : memref<80xi32, #tpu.memory_space<vmem>>, vector<16xi32>,
      tpu.vector_store %arg10[%swap3A], %add3A_125 {strides = array<i32>} : memref<80xi32, #tpu.memory_space<vmem>>, vector<16xi32>,
      %get3A_127 = arith.constant 0 : index
      %get3A_128 = tpu.vector_load %arg9[%get3A_127] {strides = array<i32>} : memref<80xi32, #tpu.memory_space<vmem>>, vector<16xi32>,
      %mul3A_129 = arith.constant 10000 : i32
      %mul3A_130 = arith.muli %add3A_1, %mul3A_129 : i32
      %add3A_131 = vector.broadcast %mul3A_130 : i32 to vector<16xi32>
      %add3A_132 = arith.addi %get3A_128, %add3A_131 : vector<16xi32>
      %swap3A_133 = arith.constant 0 : index
      %swap3A_134 = tpu.vector_load %arg11[%swap3A_133] {strides = array<i32>} : memref<80xi32, #tpu.memory_space<vmem>>, vector<16xi32>,
      tpu.vector_store %arg11[%swap3A_133], %add3A_132 {strides = array<i32>} : memref<80xi32, #tpu.memory_space<vmem>>, vector<16xi32>,
      %get3A_135 = arith.constant 16 : index
      %get3A_136 = tpu.vector_load %arg8[%get3A_135] {strides = array<i32>} : memref<80xi32, #tpu.memory_space<vmem>>, vector<16xi32>,
      %mul3A_137 = arith.constant 10000 : i32
      %mul3A_138 = arith.muli %add3A_1, %mul3A_137 : i32
      %add3A_139 = vector.broadcast %mul3A_138 : i32 to vector<16xi32>
      %add3A_140 = arith.addi %get3A_136, %add3A_139 : vector<16xi32>
      %swap3A_141 = arith.constant 16 : index
      %swap3A_142 = tpu.vector_load %arg10[%swap3A_141] {strides = array<i32>} : memref<80xi32, #tpu.memory_space<vmem>>, vector<16xi32>,
      tpu.vector_store %arg10[%swap3A_141], %add3A_140 {strides = array<i32>} : memref<80xi32, #tpu.memory_space<vmem>>, vector<16xi32>,
      %get3A_143 = arith.constant 16 : index
      %get3A_144 = tpu.vector_load %arg9[%get3A_143] {strides = array<i32>} : memref<80xi32, #tpu.memory_space<vmem>>, vector<16xi32>,
      %mul3A_145 = arith.constant 10000 : i32
      %mul3A_146 = arith.muli %add3A_1, %mul3A_145 : i32
      %add3A_147 = vector.broadcast %mul3A_146 : i32 to vector<16xi32>
      %add3A_148 = arith.addi %get3A_144, %add3A_147 : vector<16xi32>
      %swap3A_149 = arith.constant 16 : index
      %swap3A_150 = tpu.vector_load %arg11[%swap3A_149] {strides = array<i32>} : memref<80xi32, #tpu.memory_space<vmem>>, vector<16xi32>,
      tpu.vector_store %arg11[%swap3A_149], %add3A_148 {strides = array<i32>} : memref<80xi32, #tpu.memory_space<vmem>>, vector<16xi32>,
      %get3A_151 = arith.constant 32 : index
      %get3A_152 = tpu.vector_load %arg8[%get3A_151] {strides = array<i32>} : memref<80xi32, #tpu.memory_space<vmem>>, vector<16xi32>,
      %mul3A_153 = arith.constant 10000 : i32
      %mul3A_154 = arith.muli %add3A_1, %mul3A_153 : i32
      %add3A_155 = vector.broadcast %mul3A_154 : i32 to vector<16xi32>
      %add3A_156 = arith.addi %get3A_152, %add3A_155 : vector<16xi32>
      %swap3A_157 = arith.constant 32 : index
      %swap3A_158 = tpu.vector_load %arg10[%swap3A_157] {strides = array<i32>} : memref<80xi32, #tpu.memory_space<vmem>>, vector<16xi32>,
      tpu.vector_store %arg10[%swap3A_157], %add3A_156 {strides = array<i32>} : memref<80xi32, #tpu.memory_space<vmem>>, vector<16xi32>,
      %get3A_159 = arith.constant 32 : index
      %get3A_160 = tpu.vector_load %arg9[%get3A_159] {strides = array<i32>} : memref<80xi32, #tpu.memory_space<vmem>>, vector<16xi32>,
      %mul3A_161 = arith.constant 10000 : i32
      %mul3A_162 = arith.muli %add3A_1, %mul3A_161 : i32
      %add3A_163 = vector.broadcast %mul3A_162 : i32 to vector<16xi32>
      %add3A_164 = arith.addi %get3A_160, %add3A_163 : vector<16xi32>
      %swap3A_165 = arith.constant 32 : index
      %swap3A_166 = tpu.vector_load %arg11[%swap3A_165] {strides = array<i32>} : memref<80xi32, #tpu.memory_space<vmem>>, vector<16xi32>,
      tpu.vector_store %arg11[%swap3A_165], %add3A_164 {strides = array<i32>} : memref<80xi32, #tpu.memory_space<vmem>>, vector<16xi32>,
      %get3A_167 = arith.constant 48 : index
      %get3A_168 = tpu.vector_load %arg8[%get3A_167] {strides = array<i32>} : memref<80xi32, #tpu.memory_space<vmem>>, vector<16xi32>,
      %mul3A_169 = arith.constant 10000 : i32
      %mul3A_170 = arith.muli %add3A_1, %mul3A_169 : i32
      %add3A_171 = vector.broadcast %mul3A_170 : i32 to vector<16xi32>
      %add3A_172 = arith.addi %get3A_168, %add3A_171 : vector<16xi32>
      %swap3A_173 = arith.constant 48 : index
      %swap3A_174 = tpu.vector_load %arg10[%swap3A_173] {strides = array<i32>} : memref<80xi32, #tpu.memory_space<vmem>>, vector<16xi32>,
      tpu.vector_store %arg10[%swap3A_173], %add3A_172 {strides = array<i32>} : memref<80xi32, #tpu.memory_space<vmem>>, vector<16xi32>,
      %get3A_175 = arith.constant 48 : index
      %get3A_176 = tpu.vector_load %arg9[%get3A_175] {strides = array<i32>} : memref<80xi32, #tpu.memory_space<vmem>>, vector<16xi32>,
      %mul3A_177 = arith.constant 10000 : i32
      %mul3A_178 = arith.muli %add3A_1, %mul3A_177 : i32
      %add3A_179 = vector.broadcast %mul3A_178 : i32 to vector<16xi32>
      %add3A_180 = arith.addi %get3A_176, %add3A_179 : vector<16xi32>
      %swap3A_181 = arith.constant 48 : index
      %swap3A_182 = tpu.vector_load %arg11[%swap3A_181] {strides = array<i32>} : memref<80xi32, #tpu.memory_space<vmem>>, vector<16xi32>,
      tpu.vector_store %arg11[%swap3A_181], %add3A_180 {strides = array<i32>} : memref<80xi32, #tpu.memory_space<vmem>>, vector<16xi32>,
      %get3A_183 = arith.constant 64 : index
      %get3A_184 = tpu.vector_load %arg8[%get3A_183] {strides = array<i32>} : memref<80xi32, #tpu.memory_space<vmem>>, vector<16xi32>,
      %mul3A_185 = arith.constant 10000 : i32
      %mul3A_186 = arith.muli %add3A_1, %mul3A_185 : i32
      %add3A_187 = vector.broadcast %mul3A_186 : i32 to vector<16xi32>
      %add3A_188 = arith.addi %get3A_184, %add3A_187 : vector<16xi32>
      %swap3A_189 = arith.constant 64 : index
      %swap3A_190 = tpu.vector_load %arg10[%swap3A_189] {strides = array<i32>} : memref<80xi32, #tpu.memory_space<vmem>>, vector<16xi32>,
      tpu.vector_store %arg10[%swap3A_189], %add3A_188 {strides = array<i32>} : memref<80xi32, #tpu.memory_space<vmem>>, vector<16xi32>,
      %get3A_191 = arith.constant 64 : index
      %get3A_192 = tpu.vector_load %arg9[%get3A_191] {strides = array<i32>} : memref<80xi32, #tpu.memory_space<vmem>>, vector<16xi32>,
      %mul3A_193 = arith.constant 10000 : i32
      %mul3A_194 = arith.muli %add3A_1, %mul3A_193 : i32
      %add3A_195 = vector.broadcast %mul3A_194 : i32 to vector<16xi32>
      %add3A_196 = arith.addi %get3A_192, %add3A_195 : vector<16xi32>
      %swap3A_197 = arith.constant 64 : index
      %swap3A_198 = tpu.vector_load %arg11[%swap3A_197] {strides = array<i32>} : memref<80xi32, #tpu.memory_space<vmem>>, vector<16xi32>,
      tpu.vector_store %arg11[%swap3A_197], %add3A_196 {strides = array<i32>} : memref<80xi32, #tpu.memory_space<vmem>>, vector<16xi32>,
      %dma_start3A = arith.constant 0 : i32
      %dma_start3A_199 = arith.constant 0 : i32
      %dma_start3A_200 = tpu.memref_slice %arg2[%dma_start3A, %dma_start3A_199] : memref<40000x128xf32, #tpu.memory_space<hbm>> -> memref<40000x128xf32, #tpu.memory_space<hbm>>
      tpu.enqueue_indirect_dma source(%dma_start3A_200 : memref<40000x128xf32, #tpu.memory_space<hbm>>) target(%arg12 : memref<80x128xf32, #tpu.memory_space<vmem>>) offsets(%arg10 : memref<80xi32, #tpu.memory_space<vmem>>) semaphore(%arg17 : memref<!tpu.dma_semaphore, #tpu.memory_space<semaphore_mem>>)
      %dma_wait3A = arith.constant 0 : i32
      %dma_wait3A_201 = arith.constant 0 : i32
      %dma_wait3A_202 = tpu.memref_slice %arg2[%dma_wait3A, %dma_wait3A_201] : memref<40000x128xf32, #tpu.memory_space<hbm>> -> memref<40000x128xf32, #tpu.memory_space<hbm>>
      tpu.wait_indirect_dma semaphore(%arg17 : memref<!tpu.dma_semaphore, #tpu.memory_space<semaphore_mem>>) src(%dma_wait3A_202 : memref<40000x128xf32, #tpu.memory_space<hbm>>) dst(%arg12 : memref<80x128xf32, #tpu.memory_space<vmem>>)
      %dma_start3A_203 = arith.constant 0 : i32
      %dma_start3A_204 = arith.constant 0 : i32
      %dma_start3A_205 = tpu.memref_slice %arg3[%dma_start3A_203, %dma_start3A_204] : memref<40000x128xf32, #tpu.memory_space<hbm>> -> memref<40000x128xf32, #tpu.memory_space<hbm>>
      tpu.enqueue_indirect_dma source(%dma_start3A_205 : memref<40000x128xf32, #tpu.memory_space<hbm>>) target(%arg13 : memref<80x128xf32, #tpu.memory_space<vmem>>) offsets(%arg11 : memref<80xi32, #tpu.memory_space<vmem>>) semaphore(%arg18 : memref<!tpu.dma_semaphore, #tpu.memory_space<semaphore_mem>>)
      %dma_wait3A_206 = arith.constant 0 : i32
      %dma_wait3A_207 = arith.constant 0 : i32
      %dma_wait3A_208 = tpu.memref_slice %arg3[%dma_wait3A_206, %dma_wait3A_207] : memref<40000x128xf32, #tpu.memory_space<hbm>> -> memref<40000x128xf32, #tpu.memory_space<hbm>>
      tpu.wait_indirect_dma semaphore(%arg18 : memref<!tpu.dma_semaphore, #tpu.memory_space<semaphore_mem>>) src(%dma_wait3A_208 : memref<40000x128xf32, #tpu.memory_space<hbm>>) dst(%arg13 : memref<80x128xf32, #tpu.memory_space<vmem>>)
      %scan3A_209 = arith.constant 0 : i32
      %scan3A_210 = arith.constant 0 : i32
      %scan3A_211 = arith.constant 80 : i32
      %scan3A_212 = arith.addi %scan3A_210, %scan3A_211 : i32
      %scan3A_213 = arith.constant 1 : i32
      scf.for %scan3A_215 = %scan3A_210 to %scan3A_212 step %scan3A_213  : i32 {
        %get3A_216 = arith.index_cast %scan3A_215 : i32 to index
        %get3A_217 = arith.constant 0 : index
        %get3A_218 = tpu.vector_load %arg12[%get3A_216, %get3A_217] {strides = array<i32>} : memref<80x128xf32, #tpu.memory_space<vmem>>, vector<16xf32>,
        %get3A_219 = arith.index_cast %scan3A_215 : i32 to index
        %get3A_220 = arith.constant 0 : index
        %get3A_221 = tpu.vector_load %arg13[%get3A_219, %get3A_220] {strides = array<i32>} : memref<80x128xf32, #tpu.memory_space<vmem>>, vector<16xf32>,
        %add3A_222 = arith.addf %get3A_218, %get3A_221 : vector<16xf32>
        %max3A = arith.constant 0.000000e+00 : f32
        %max3A_223 = vector.broadcast %max3A : f32 to vector<16xf32>
        %max3A_224 = arith.maximumf %add3A_222, %max3A_223 : vector<16xf32>
        %min3A = arith.constant 0.000000e+00 : f32
        %min3A_225 = vector.broadcast %min3A : f32 to vector<16xf32>
        %min3A_226 = arith.minimumf %add3A_222, %min3A_225 : vector<16xf32>
        %mul3A_227 = arith.constant 2.000000e-01 : f32
        %mul3A_228 = vector.broadcast %mul3A_227 : f32 to vector<16xf32>
        %mul3A_229 = arith.mulf %mul3A_228, %min3A_226 : vector<16xf32>
        %add3A_230 = arith.addf %max3A_224, %mul3A_229 : vector<16xf32>
        %get3A_231 = arith.constant 0 : index
        %get3A_232 = tpu.vector_load %arg15[%get3A_231] {strides = array<i32>} : memref<128xf32, #tpu.memory_space<vmem>>, vector<16xf32>,
        %mul3A_233 = arith.mulf %add3A_230, %get3A_232 : vector<16xf32>
        %add3A_234 = arith.addf %broadcast_in_dim3A_0, %mul3A_233 : vector<16xf32>
        %get3A_235 = arith.index_cast %scan3A_215 : i32 to index
        %get3A_236 = arith.constant 16 : index
        %get3A_237 = tpu.vector_load %arg12[%get3A_235, %get3A_236] {strides = array<i32>} : memref<80x128xf32, #tpu.memory_space<vmem>>, vector<16xf32>,
        %get3A_238 = arith.index_cast %scan3A_215 : i32 to index
        %get3A_239 = arith.constant 16 : index
        %get3A_240 = tpu.vector_load %arg13[%get3A_238, %get3A_239] {strides = array<i32>} : memref<80x128xf32, #tpu.memory_space<vmem>>, vector<16xf32>,
        %add3A_241 = arith.addf %get3A_237, %get3A_240 : vector<16xf32>
        %max3A_242 = arith.constant 0.000000e+00 : f32
        %max3A_243 = vector.broadcast %max3A_242 : f32 to vector<16xf32>
        %max3A_244 = arith.maximumf %add3A_241, %max3A_243 : vector<16xf32>
        %min3A_245 = arith.constant 0.000000e+00 : f32
        %min3A_246 = vector.broadcast %min3A_245 : f32 to vector<16xf32>
        %min3A_247 = arith.minimumf %add3A_241, %min3A_246 : vector<16xf32>
        %mul3A_248 = arith.constant 2.000000e-01 : f32
        %mul3A_249 = vector.broadcast %mul3A_248 : f32 to vector<16xf32>
        %mul3A_250 = arith.mulf %mul3A_249, %min3A_247 : vector<16xf32>
        %add3A_251 = arith.addf %max3A_244, %mul3A_250 : vector<16xf32>
        %get3A_252 = arith.constant 16 : index
        %get3A_253 = tpu.vector_load %arg15[%get3A_252] {strides = array<i32>} : memref<128xf32, #tpu.memory_space<vmem>>, vector<16xf32>,
        %mul3A_254 = arith.mulf %add3A_251, %get3A_253 : vector<16xf32>
        %add3A_255 = arith.addf %add3A_234, %mul3A_254 : vector<16xf32>
        %get3A_256 = arith.index_cast %scan3A_215 : i32 to index
        %get3A_257 = arith.constant 32 : index
        %get3A_258 = tpu.vector_load %arg12[%get3A_256, %get3A_257] {strides = array<i32>} : memref<80x128xf32, #tpu.memory_space<vmem>>, vector<16xf32>,
        %get3A_259 = arith.index_cast %scan3A_215 : i32 to index
        %get3A_260 = arith.constant 32 : index
        %get3A_261 = tpu.vector_load %arg13[%get3A_259, %get3A_260] {strides = array<i32>} : memref<80x128xf32, #tpu.memory_space<vmem>>, vector<16xf32>,
        %add3A_262 = arith.addf %get3A_258, %get3A_261 : vector<16xf32>
        %max3A_263 = arith.constant 0.000000e+00 : f32
        %max3A_264 = vector.broadcast %max3A_263 : f32 to vector<16xf32>
        %max3A_265 = arith.maximumf %add3A_262, %max3A_264 : vector<16xf32>
        %min3A_266 = arith.constant 0.000000e+00 : f32
        %min3A_267 = vector.broadcast %min3A_266 : f32 to vector<16xf32>
        %min3A_268 = arith.minimumf %add3A_262, %min3A_267 : vector<16xf32>
        %mul3A_269 = arith.constant 2.000000e-01 : f32
        %mul3A_270 = vector.broadcast %mul3A_269 : f32 to vector<16xf32>
        %mul3A_271 = arith.mulf %mul3A_270, %min3A_268 : vector<16xf32>
        %add3A_272 = arith.addf %max3A_265, %mul3A_271 : vector<16xf32>
        %get3A_273 = arith.constant 32 : index
        %get3A_274 = tpu.vector_load %arg15[%get3A_273] {strides = array<i32>} : memref<128xf32, #tpu.memory_space<vmem>>, vector<16xf32>,
        %mul3A_275 = arith.mulf %add3A_272, %get3A_274 : vector<16xf32>
        %add3A_276 = arith.addf %add3A_255, %mul3A_275 : vector<16xf32>
        %get3A_277 = arith.index_cast %scan3A_215 : i32 to index
        %get3A_278 = arith.constant 48 : index
        %get3A_279 = tpu.vector_load %arg12[%get3A_277, %get3A_278] {strides = array<i32>} : memref<80x128xf32, #tpu.memory_space<vmem>>, vector<16xf32>,
        %get3A_280 = arith.index_cast %scan3A_215 : i32 to index
        %get3A_281 = arith.constant 48 : index
        %get3A_282 = tpu.vector_load %arg13[%get3A_280, %get3A_281] {strides = array<i32>} : memref<80x128xf32, #tpu.memory_space<vmem>>, vector<16xf32>,
        %add3A_283 = arith.addf %get3A_279, %get3A_282 : vector<16xf32>
        %max3A_284 = arith.constant 0.000000e+00 : f32
        %max3A_285 = vector.broadcast %max3A_284 : f32 to vector<16xf32>
        %max3A_286 = arith.maximumf %add3A_283, %max3A_285 : vector<16xf32>
        %min3A_287 = arith.constant 0.000000e+00 : f32
        %min3A_288 = vector.broadcast %min3A_287 : f32 to vector<16xf32>
        %min3A_289 = arith.minimumf %add3A_283, %min3A_288 : vector<16xf32>
        %mul3A_290 = arith.constant 2.000000e-01 : f32
        %mul3A_291 = vector.broadcast %mul3A_290 : f32 to vector<16xf32>
        %mul3A_292 = arith.mulf %mul3A_291, %min3A_289 : vector<16xf32>
        %add3A_293 = arith.addf %max3A_286, %mul3A_292 : vector<16xf32>
        %get3A_294 = arith.constant 48 : index
        %get3A_295 = tpu.vector_load %arg15[%get3A_294] {strides = array<i32>} : memref<128xf32, #tpu.memory_space<vmem>>, vector<16xf32>,
        %mul3A_296 = arith.mulf %add3A_293, %get3A_295 : vector<16xf32>
        %add3A_297 = arith.addf %add3A_276, %mul3A_296 : vector<16xf32>
        %get3A_298 = arith.index_cast %scan3A_215 : i32 to index
        %get3A_299 = arith.constant 64 : index
        %get3A_300 = tpu.vector_load %arg12[%get3A_298, %get3A_299] {strides = array<i32>} : memref<80x128xf32, #tpu.memory_space<vmem>>, vector<16xf32>,
        %get3A_301 = arith.index_cast %scan3A_215 : i32 to index
        %get3A_302 = arith.constant 64 : index
        %get3A_303 = tpu.vector_load %arg13[%get3A_301, %get3A_302] {strides = array<i32>} : memref<80x128xf32, #tpu.memory_space<vmem>>, vector<16xf32>,
        %add3A_304 = arith.addf %get3A_300, %get3A_303 : vector<16xf32>
        %max3A_305 = arith.constant 0.000000e+00 : f32
        %max3A_306 = vector.broadcast %max3A_305 : f32 to vector<16xf32>
        %max3A_307 = arith.maximumf %add3A_304, %max3A_306 : vector<16xf32>
        %min3A_308 = arith.constant 0.000000e+00 : f32
        %min3A_309 = vector.broadcast %min3A_308 : f32 to vector<16xf32>
        %min3A_310 = arith.minimumf %add3A_304, %min3A_309 : vector<16xf32>
        %mul3A_311 = arith.constant 2.000000e-01 : f32
        %mul3A_312 = vector.broadcast %mul3A_311 : f32 to vector<16xf32>
        %mul3A_313 = arith.mulf %mul3A_312, %min3A_310 : vector<16xf32>
        %add3A_314 = arith.addf %max3A_307, %mul3A_313 : vector<16xf32>
        %get3A_315 = arith.constant 64 : index
        %get3A_316 = tpu.vector_load %arg15[%get3A_315] {strides = array<i32>} : memref<128xf32, #tpu.memory_space<vmem>>, vector<16xf32>,
        %mul3A_317 = arith.mulf %add3A_314, %get3A_316 : vector<16xf32>
        %add3A_318 = arith.addf %add3A_297, %mul3A_317 : vector<16xf32>
        %get3A_319 = arith.index_cast %scan3A_215 : i32 to index
        %get3A_320 = arith.constant 80 : index
        %get3A_321 = tpu.vector_load %arg12[%get3A_319, %get3A_320] {strides = array<i32>} : memref<80x128xf32, #tpu.memory_space<vmem>>, vector<16xf32>,
        %get3A_322 = arith.index_cast %scan3A_215 : i32 to index
        %get3A_323 = arith.constant 80 : index
        %get3A_324 = tpu.vector_load %arg13[%get3A_322, %get3A_323] {strides = array<i32>} : memref<80x128xf32, #tpu.memory_space<vmem>>, vector<16xf32>,
        %add3A_325 = arith.addf %get3A_321, %get3A_324 : vector<16xf32>
        %max3A_326 = arith.constant 0.000000e+00 : f32
        %max3A_327 = vector.broadcast %max3A_326 : f32 to vector<16xf32>
        %max3A_328 = arith.maximumf %add3A_325, %max3A_327 : vector<16xf32>
        %min3A_329 = arith.constant 0.000000e+00 : f32
        %min3A_330 = vector.broadcast %min3A_329 : f32 to vector<16xf32>
        %min3A_331 = arith.minimumf %add3A_325, %min3A_330 : vector<16xf32>
        %mul3A_332 = arith.constant 2.000000e-01 : f32
        %mul3A_333 = vector.broadcast %mul3A_332 : f32 to vector<16xf32>
        %mul3A_334 = arith.mulf %mul3A_333, %min3A_331 : vector<16xf32>
        %add3A_335 = arith.addf %max3A_328, %mul3A_334 : vector<16xf32>
        %get3A_336 = arith.constant 80 : index
        %get3A_337 = tpu.vector_load %arg15[%get3A_336] {strides = array<i32>} : memref<128xf32, #tpu.memory_space<vmem>>, vector<16xf32>,
        %mul3A_338 = arith.mulf %add3A_335, %get3A_337 : vector<16xf32>
        %add3A_339 = arith.addf %add3A_318, %mul3A_338 : vector<16xf32>
        %get3A_340 = arith.index_cast %scan3A_215 : i32 to index
        %get3A_341 = arith.constant 96 : index
        %get3A_342 = tpu.vector_load %arg12[%get3A_340, %get3A_341] {strides = array<i32>} : memref<80x128xf32, #tpu.memory_space<vmem>>, vector<16xf32>,
        %get3A_343 = arith.index_cast %scan3A_215 : i32 to index
        %get3A_344 = arith.constant 96 : index
        %get3A_345 = tpu.vector_load %arg13[%get3A_343, %get3A_344] {strides = array<i32>} : memref<80x128xf32, #tpu.memory_space<vmem>>, vector<16xf32>,
        %add3A_346 = arith.addf %get3A_342, %get3A_345 : vector<16xf32>
        %max3A_347 = arith.constant 0.000000e+00 : f32
        %max3A_348 = vector.broadcast %max3A_347 : f32 to vector<16xf32>
        %max3A_349 = arith.maximumf %add3A_346, %max3A_348 : vector<16xf32>
        %min3A_350 = arith.constant 0.000000e+00 : f32
        %min3A_351 = vector.broadcast %min3A_350 : f32 to vector<16xf32>
        %min3A_352 = arith.minimumf %add3A_346, %min3A_351 : vector<16xf32>
        %mul3A_353 = arith.constant 2.000000e-01 : f32
        %mul3A_354 = vector.broadcast %mul3A_353 : f32 to vector<16xf32>
        %mul3A_355 = arith.mulf %mul3A_354, %min3A_352 : vector<16xf32>
        %add3A_356 = arith.addf %max3A_349, %mul3A_355 : vector<16xf32>
        %get3A_357 = arith.constant 96 : index
        %get3A_358 = tpu.vector_load %arg15[%get3A_357] {strides = array<i32>} : memref<128xf32, #tpu.memory_space<vmem>>, vector<16xf32>,
        %mul3A_359 = arith.mulf %add3A_356, %get3A_358 : vector<16xf32>
        %add3A_360 = arith.addf %add3A_339, %mul3A_359 : vector<16xf32>
        %get3A_361 = arith.index_cast %scan3A_215 : i32 to index
        %get3A_362 = arith.constant 112 : index
        %get3A_363 = tpu.vector_load %arg12[%get3A_361, %get3A_362] {strides = array<i32>} : memref<80x128xf32, #tpu.memory_space<vmem>>, vector<16xf32>,
        %get3A_364 = arith.index_cast %scan3A_215 : i32 to index
        %get3A_365 = arith.constant 112 : index
        %get3A_366 = tpu.vector_load %arg13[%get3A_364, %get3A_365] {strides = array<i32>} : memref<80x128xf32, #tpu.memory_space<vmem>>, vector<16xf32>,
        %add3A_367 = arith.addf %get3A_363, %get3A_366 : vector<16xf32>
        %max3A_368 = arith.constant 0.000000e+00 : f32
        %max3A_369 = vector.broadcast %max3A_368 : f32 to vector<16xf32>
        %max3A_370 = arith.maximumf %add3A_367, %max3A_369 : vector<16xf32>
        %min3A_371 = arith.constant 0.000000e+00 : f32
        %min3A_372 = vector.broadcast %min3A_371 : f32 to vector<16xf32>
        %min3A_373 = arith.minimumf %add3A_367, %min3A_372 : vector<16xf32>
        %mul3A_374 = arith.constant 2.000000e-01 : f32
        %mul3A_375 = vector.broadcast %mul3A_374 : f32 to vector<16xf32>
        %mul3A_376 = arith.mulf %mul3A_375, %min3A_373 : vector<16xf32>
        %add3A_377 = arith.addf %max3A_370, %mul3A_376 : vector<16xf32>
        %get3A_378 = arith.constant 112 : index
        %get3A_379 = tpu.vector_load %arg15[%get3A_378] {strides = array<i32>} : memref<128xf32, #tpu.memory_space<vmem>>, vector<16xf32>,
        %mul3A_380 = arith.mulf %add3A_377, %get3A_379 : vector<16xf32>
        %add3A_381 = arith.addf %add3A_360, %mul3A_380 : vector<16xf32>
        %reduce_sum3A = arith.constant true
        %reduce_sum3A_382 = vector.broadcast %reduce_sum3A : i1 to vector<16xi1>
        %reduce_sum3A_383 = tpu.scan <sum>, %add3A_381 masked %reduce_sum3A_382 : vector<16xf32>, vector<16xi1> -> vector<16xf32>
        %reduce_sum3A_384 = vector.extract %reduce_sum3A_383[15] : f32 from vector<16xf32>
        %broadcast_in_dim3A_385 = vector.broadcast %reduce_sum3A_384 : f32 to vector<16xf32>
        %exp3A = math.exp %broadcast_in_dim3A_385 : vector<16xf32>
        %get3A_386 = arith.index_cast %scan3A_215 : i32 to index
        %get3A_387 = arith.constant 0 : index
        %get3A_388 = tpu.vector_load %arg12[%get3A_386, %get3A_387] {strides = array<i32>} : memref<80x128xf32, #tpu.memory_space<vmem>>, vector<16xf32>,
        %mul3A_389 = arith.mulf %get3A_388, %exp3A : vector<16xf32>
        %swap3A_390 = arith.index_cast %scan3A_215 : i32 to index
        %swap3A_391 = arith.constant 0 : index
        %swap3A_392 = tpu.vector_load %arg14[%swap3A_390, %swap3A_391] {strides = array<i32>} : memref<80x144xf32, #tpu.memory_space<vmem>>, vector<16xf32>,
        tpu.vector_store %arg14[%swap3A_390, %swap3A_391], %mul3A_389 {strides = array<i32>} : memref<80x144xf32, #tpu.memory_space<vmem>>, vector<16xf32>,
        %get3A_393 = arith.index_cast %scan3A_215 : i32 to index
        %get3A_394 = arith.constant 16 : index
        %get3A_395 = tpu.vector_load %arg12[%get3A_393, %get3A_394] {strides = array<i32>} : memref<80x128xf32, #tpu.memory_space<vmem>>, vector<16xf32>,
        %mul3A_396 = arith.mulf %get3A_395, %exp3A : vector<16xf32>
        %swap3A_397 = arith.index_cast %scan3A_215 : i32 to index
        %swap3A_398 = arith.constant 16 : index
        %swap3A_399 = tpu.vector_load %arg14[%swap3A_397, %swap3A_398] {strides = array<i32>} : memref<80x144xf32, #tpu.memory_space<vmem>>, vector<16xf32>,
        tpu.vector_store %arg14[%swap3A_397, %swap3A_398], %mul3A_396 {strides = array<i32>} : memref<80x144xf32, #tpu.memory_space<vmem>>, vector<16xf32>,
        %get3A_400 = arith.index_cast %scan3A_215 : i32 to index
        %get3A_401 = arith.constant 32 : index
        %get3A_402 = tpu.vector_load %arg12[%get3A_400, %get3A_401] {strides = array<i32>} : memref<80x128xf32, #tpu.memory_space<vmem>>, vector<16xf32>,
        %mul3A_403 = arith.mulf %get3A_402, %exp3A : vector<16xf32>
        %swap3A_404 = arith.index_cast %scan3A_215 : i32 to index
        %swap3A_405 = arith.constant 32 : index
        %swap3A_406 = tpu.vector_load %arg14[%swap3A_404, %swap3A_405] {strides = array<i32>} : memref<80x144xf32, #tpu.memory_space<vmem>>, vector<16xf32>,
        tpu.vector_store %arg14[%swap3A_404, %swap3A_405], %mul3A_403 {strides = array<i32>} : memref<80x144xf32, #tpu.memory_space<vmem>>, vector<16xf32>,
        %get3A_407 = arith.index_cast %scan3A_215 : i32 to index
        %get3A_408 = arith.constant 48 : index
        %get3A_409 = tpu.vector_load %arg12[%get3A_407, %get3A_408] {strides = array<i32>} : memref<80x128xf32, #tpu.memory_space<vmem>>, vector<16xf32>,
        %mul3A_410 = arith.mulf %get3A_409, %exp3A : vector<16xf32>
        %swap3A_411 = arith.index_cast %scan3A_215 : i32 to index
        %swap3A_412 = arith.constant 48 : index
        %swap3A_413 = tpu.vector_load %arg14[%swap3A_411, %swap3A_412] {strides = array<i32>} : memref<80x144xf32, #tpu.memory_space<vmem>>, vector<16xf32>,
        tpu.vector_store %arg14[%swap3A_411, %swap3A_412], %mul3A_410 {strides = array<i32>} : memref<80x144xf32, #tpu.memory_space<vmem>>, vector<16xf32>,
        %get3A_414 = arith.index_cast %scan3A_215 : i32 to index
        %get3A_415 = arith.constant 64 : index
        %get3A_416 = tpu.vector_load %arg12[%get3A_414, %get3A_415] {strides = array<i32>} : memref<80x128xf32, #tpu.memory_space<vmem>>, vector<16xf32>,
        %mul3A_417 = arith.mulf %get3A_416, %exp3A : vector<16xf32>
        %swap3A_418 = arith.index_cast %scan3A_215 : i32 to index
        %swap3A_419 = arith.constant 64 : index
        %swap3A_420 = tpu.vector_load %arg14[%swap3A_418, %swap3A_419] {strides = array<i32>} : memref<80x144xf32, #tpu.memory_space<vmem>>, vector<16xf32>,
        tpu.vector_store %arg14[%swap3A_418, %swap3A_419], %mul3A_417 {strides = array<i32>} : memref<80x144xf32, #tpu.memory_space<vmem>>, vector<16xf32>,
        %get3A_421 = arith.index_cast %scan3A_215 : i32 to index
        %get3A_422 = arith.constant 80 : index
        %get3A_423 = tpu.vector_load %arg12[%get3A_421, %get3A_422] {strides = array<i32>} : memref<80x128xf32, #tpu.memory_space<vmem>>, vector<16xf32>,
        %mul3A_424 = arith.mulf %get3A_423, %exp3A : vector<16xf32>
        %swap3A_425 = arith.index_cast %scan3A_215 : i32 to index
        %swap3A_426 = arith.constant 80 : index
        %swap3A_427 = tpu.vector_load %arg14[%swap3A_425, %swap3A_426] {strides = array<i32>} : memref<80x144xf32, #tpu.memory_space<vmem>>, vector<16xf32>,
        tpu.vector_store %arg14[%swap3A_425, %swap3A_426], %mul3A_424 {strides = array<i32>} : memref<80x144xf32, #tpu.memory_space<vmem>>, vector<16xf32>,
        %get3A_428 = arith.index_cast %scan3A_215 : i32 to index
        %get3A_429 = arith.constant 96 : index
        %get3A_430 = tpu.vector_load %arg12[%get3A_428, %get3A_429] {strides = array<i32>} : memref<80x128xf32, #tpu.memory_space<vmem>>, vector<16xf32>,
        %mul3A_431 = arith.mulf %get3A_430, %exp3A : vector<16xf32>
        %swap3A_432 = arith.index_cast %scan3A_215 : i32 to index
        %swap3A_433 = arith.constant 96 : index
        %swap3A_434 = tpu.vector_load %arg14[%swap3A_432, %swap3A_433] {strides = array<i32>} : memref<80x144xf32, #tpu.memory_space<vmem>>, vector<16xf32>,
        tpu.vector_store %arg14[%swap3A_432, %swap3A_433], %mul3A_431 {strides = array<i32>} : memref<80x144xf32, #tpu.memory_space<vmem>>, vector<16xf32>,
        %get3A_435 = arith.index_cast %scan3A_215 : i32 to index
        %get3A_436 = arith.constant 112 : index
        %get3A_437 = tpu.vector_load %arg12[%get3A_435, %get3A_436] {strides = array<i32>} : memref<80x128xf32, #tpu.memory_space<vmem>>, vector<16xf32>,
        %mul3A_438 = arith.mulf %get3A_437, %exp3A : vector<16xf32>
        %swap3A_439 = arith.index_cast %scan3A_215 : i32 to index
        %swap3A_440 = arith.constant 112 : index
        %swap3A_441 = tpu.vector_load %arg14[%swap3A_439, %swap3A_440] {strides = array<i32>} : memref<80x144xf32, #tpu.memory_space<vmem>>, vector<16xf32>,
        tpu.vector_store %arg14[%swap3A_439, %swap3A_440], %mul3A_438 {strides = array<i32>} : memref<80x144xf32, #tpu.memory_space<vmem>>, vector<16xf32>,
        %swap3A_442 = arith.index_cast %scan3A_215 : i32 to index
        %swap3A_443 = arith.constant 128 : index
        %swap3A_444 = tpu.vector_load %arg14[%swap3A_442, %swap3A_443] {strides = array<i32>} : memref<80x144xf32, #tpu.memory_space<vmem>>, vector<16xf32>,
        tpu.vector_store %arg14[%swap3A_442, %swap3A_443], %exp3A {strides = array<i32>} : memref<80x144xf32, #tpu.memory_space<vmem>>, vector<16xf32>,
      }
      %scan3A_214 = arith.constant 80 : i32
      "tpu.region"() ({
        %run_scoped3A = tpu.sem_alloc : memref<!tpu.dma_semaphore, #tpu.memory_space<semaphore_mem>>
        %dma_start3A_215 = arith.constant 0 : i32
        %dma_start3A_216 = arith.constant 0 : i32
        %dma_start3A_217 = tpu.memref_slice %arg16[%dma_start3A_215, %dma_start3A_216] : memref<10000x144xf32, #tpu.memory_space<vmem_shared>> -> memref<10000x144xf32, #tpu.memory_space<vmem_shared>>
        tpu.enqueue_indirect_dma source(%arg14 : memref<80x144xf32, #tpu.memory_space<vmem>>) target(%dma_start3A_217 : memref<10000x144xf32, #tpu.memory_space<vmem_shared>>) offsets(%arg9 : memref<80xi32, #tpu.memory_space<vmem>>) semaphore(%run_scoped3A : memref<!tpu.dma_semaphore, #tpu.memory_space<semaphore_mem>>) {add = true}
        %dma_wait3A_218 = arith.constant 0 : i32
        %dma_wait3A_219 = arith.constant 0 : i32
        %dma_wait3A_220 = tpu.memref_slice %arg16[%dma_wait3A_218, %dma_wait3A_219] : memref<10000x144xf32, #tpu.memory_space<vmem_shared>> -> memref<10000x144xf32, #tpu.memory_space<vmem_shared>>
        tpu.wait_indirect_dma semaphore(%run_scoped3A : memref<!tpu.dma_semaphore, #tpu.memory_space<semaphore_mem>>) src(%arg14 : memref<80x144xf32, #tpu.memory_space<vmem>>) dst(%dma_wait3A_220 : memref<10000x144xf32, #tpu.memory_space<vmem_shared>>)
        tpu.yield
      }) : () -> ()
    }
    %scan3A_47 = arith.constant 125 : i32
    %barrier3A_48 = arith.constant 0 : index
    tpu.barrier barrier_id(%barrier3A_48)
    %mul3A_49 = arith.constant 625 : i32
    %mul3A_50 = arith.muli %arg1, %mul3A_49 : i32
    %mul3A_51 = arith.constant 10000 : i32
    %mul3A_52 = arith.muli %add3A_1, %mul3A_51 : i32
    %mul3A_53 = arith.constant 625 : i32
    %mul3A_54 = arith.muli %arg1, %mul3A_53 : i32
    %add3A_55 = arith.addi %mul3A_52, %mul3A_54 : i32
    "tpu.region"() ({
      %run_scoped3A = tpu.sem_alloc : memref<!tpu.dma_semaphore, #tpu.memory_space<semaphore_mem>>
      %dma_start3A = arith.constant 0 : i32
      %dma_start3A_117 = tpu.memref_slice %arg7[%add3A_55, %dma_start3A] : memref<40000x144xf32, #tpu.memory_space<hbm>> -> memref<625x144xf32, #tpu.memory_space<hbm>>
      %dma_start3A_118 = arith.constant 0 : i32
      %dma_start3A_119 = tpu.memref_slice %arg16[%mul3A_50, %dma_start3A_118] : memref<10000x144xf32, #tpu.memory_space<vmem_shared>> -> memref<625x144xf32, #tpu.memory_space<vmem_shared>>
      tpu.enqueue_dma source(%dma_start3A_119 : memref<625x144xf32, #tpu.memory_space<vmem_shared>>) target(%dma_start3A_117 : memref<625x144xf32, #tpu.memory_space<hbm>>) target_semaphore(%run_scoped3A : memref<!tpu.dma_semaphore, #tpu.memory_space<semaphore_mem>>)
      %dma_wait3A = arith.constant 0 : i32
      %dma_wait3A_120 = tpu.memref_slice %arg7[%add3A_55, %dma_wait3A] : memref<40000x144xf32, #tpu.memory_space<hbm>> -> memref<625x144xf32, #tpu.memory_space<hbm>>
      %dma_wait3A_121 = arith.constant 0 : i32
      %dma_wait3A_122 = tpu.memref_slice %arg16[%mul3A_50, %dma_wait3A_121] : memref<10000x144xf32, #tpu.memory_space<vmem_shared>> -> memref<625x144xf32, #tpu.memory_space<vmem_shared>>
      tpu.wait_dma2 semaphore(%run_scoped3A : memref<!tpu.dma_semaphore, #tpu.memory_space<semaphore_mem>>) src(%dma_wait3A_122 : memref<625x144xf32, #tpu.memory_space<vmem_shared>>) dst(%dma_wait3A_120 : memref<625x144xf32, #tpu.memory_space<hbm>>)
      tpu.yield
    }) : () -> ()
    %barrier3A_56 = arith.constant 0 : index
    tpu.barrier barrier_id(%barrier3A_56)
    %add3A_57 = arith.constant 2 : i32
    %add3A_58 = arith.addi %add3A_57, %arg0 : i32
    %scan3A_59 = arith.constant 0 : i32
    %scan3A_60 = arith.constant 0 : i32
    %scan3A_61 = arith.constant 80 : i32
    %scan3A_62 = arith.addi %scan3A_60, %scan3A_61 : i32
    %scan3A_63 = arith.constant 1 : i32
    scf.for %scan3A_117 = %scan3A_60 to %scan3A_62 step %scan3A_63  : i32 {
      %swap3A = arith.index_cast %scan3A_117 : i32 to index
      %swap3A_118 = arith.constant 0 : index
      %swap3A_119 = tpu.vector_load %arg14[%swap3A, %swap3A_118] {strides = array<i32>} : memref<80x144xf32, #tpu.memory_space<vmem>>, vector<16xf32>,
      tpu.vector_store %arg14[%swap3A, %swap3A_118], %broadcast_in_dim3A_0 {strides = array<i32>} : memref<80x144xf32, #tpu.memory_space<vmem>>, vector<16xf32>,
      %swap3A_120 = arith.index_cast %scan3A_117 : i32 to index
      %swap3A_121 = arith.constant 16 : index
      %swap3A_122 = tpu.vector_load %arg14[%swap3A_120, %swap3A_121] {strides = array<i32>} : memref<80x144xf32, #tpu.memory_space<vmem>>, vector<16xf32>,
      tpu.vector_store %arg14[%swap3A_120, %swap3A_121], %broadcast_in_dim3A_0 {strides = array<i32>} : memref<80x144xf32, #tpu.memory_space<vmem>>, vector<16xf32>,
      %swap3A_123 = arith.index_cast %scan3A_117 : i32 to index
      %swap3A_124 = arith.constant 32 : index
      %swap3A_125 = tpu.vector_load %arg14[%swap3A_123, %swap3A_124] {strides = array<i32>} : memref<80x144xf32, #tpu.memory_space<vmem>>, vector<16xf32>,
      tpu.vector_store %arg14[%swap3A_123, %swap3A_124], %broadcast_in_dim3A_0 {strides = array<i32>} : memref<80x144xf32, #tpu.memory_space<vmem>>, vector<16xf32>,
      %swap3A_126 = arith.index_cast %scan3A_117 : i32 to index
      %swap3A_127 = arith.constant 48 : index
      %swap3A_128 = tpu.vector_load %arg14[%swap3A_126, %swap3A_127] {strides = array<i32>} : memref<80x144xf32, #tpu.memory_space<vmem>>, vector<16xf32>,
      tpu.vector_store %arg14[%swap3A_126, %swap3A_127], %broadcast_in_dim3A_0 {strides = array<i32>} : memref<80x144xf32, #tpu.memory_space<vmem>>, vector<16xf32>,
      %swap3A_129 = arith.index_cast %scan3A_117 : i32 to index
      %swap3A_130 = arith.constant 64 : index
      %swap3A_131 = tpu.vector_load %arg14[%swap3A_129, %swap3A_130] {strides = array<i32>} : memref<80x144xf32, #tpu.memory_space<vmem>>, vector<16xf32>,
      tpu.vector_store %arg14[%swap3A_129, %swap3A_130], %broadcast_in_dim3A_0 {strides = array<i32>} : memref<80x144xf32, #tpu.memory_space<vmem>>, vector<16xf32>,
      %swap3A_132 = arith.index_cast %scan3A_117 : i32 to index
      %swap3A_133 = arith.constant 80 : index
      %swap3A_134 = tpu.vector_load %arg14[%swap3A_132, %swap3A_133] {strides = array<i32>} : memref<80x144xf32, #tpu.memory_space<vmem>>, vector<16xf32>,
      tpu.vector_store %arg14[%swap3A_132, %swap3A_133], %broadcast_in_dim3A_0 {strides = array<i32>} : memref<80x144xf32, #tpu.memory_space<vmem>>, vector<16xf32>,
      %swap3A_135 = arith.index_cast %scan3A_117 : i32 to index
      %swap3A_136 = arith.constant 96 : index
      %swap3A_137 = tpu.vector_load %arg14[%swap3A_135, %swap3A_136] {strides = array<i32>} : memref<80x144xf32, #tpu.memory_space<vmem>>, vector<16xf32>,
      tpu.vector_store %arg14[%swap3A_135, %swap3A_136], %broadcast_in_dim3A_0 {strides = array<i32>} : memref<80x144xf32, #tpu.memory_space<vmem>>, vector<16xf32>,
      %swap3A_138 = arith.index_cast %scan3A_117 : i32 to index
      %swap3A_139 = arith.constant 112 : index
      %swap3A_140 = tpu.vector_load %arg14[%swap3A_138, %swap3A_139] {strides = array<i32>} : memref<80x144xf32, #tpu.memory_space<vmem>>, vector<16xf32>,
      tpu.vector_store %arg14[%swap3A_138, %swap3A_139], %broadcast_in_dim3A_0 {strides = array<i32>} : memref<80x144xf32, #tpu.memory_space<vmem>>, vector<16xf32>,
      %swap3A_141 = arith.index_cast %scan3A_117 : i32 to index
      %swap3A_142 = arith.constant 128 : index
      %swap3A_143 = tpu.vector_load %arg14[%swap3A_141, %swap3A_142] {strides = array<i32>} : memref<80x144xf32, #tpu.memory_space<vmem>>, vector<16xf32>,
      tpu.vector_store %arg14[%swap3A_141, %swap3A_142], %broadcast_in_dim3A_0 {strides = array<i32>} : memref<80x144xf32, #tpu.memory_space<vmem>>, vector<16xf32>,
    }
    %scan3A_64 = arith.constant 80 : i32
    %mul3A_65 = arith.constant 625 : i32
    %mul3A_66 = arith.muli %arg1, %mul3A_65 : i32
    %add3A_67 = arith.constant 0 : i32
    %add3A_68 = arith.addi %mul3A_66, %add3A_67 : i32
    "tpu.region"() ({
      %run_scoped3A = tpu.sem_alloc : memref<!tpu.dma_semaphore, #tpu.memory_space<semaphore_mem>>
      %dma_start3A = arith.constant 0 : i32
      %dma_start3A_117 = tpu.memref_slice %arg16[%add3A_68, %dma_start3A] : memref<10000x144xf32, #tpu.memory_space<vmem_shared>> -> memref<80x144xf32, #tpu.memory_space<vmem_shared>>
      %dma_start3A_118 = arith.constant 0 : i32
      %dma_start3A_119 = tpu.memref_slice %arg16[%add3A_68, %dma_start3A_118] : memref<10000x144xf32, #tpu.memory_space<vmem_shared>> -> memref<80x144xf32, #tpu.memory_space<vmem_shared>>
      tpu.enqueue_dma source(%arg14 : memref<80x144xf32, #tpu.memory_space<vmem>>) target(%dma_start3A_119 : memref<80x144xf32, #tpu.memory_space<vmem_shared>>) target_semaphore(%run_scoped3A : memref<!tpu.dma_semaphore, #tpu.memory_space<semaphore_mem>>)
      %dma_wait3A = arith.constant 0 : i32
      %dma_wait3A_120 = tpu.memref_slice %arg16[%add3A_68, %dma_wait3A] : memref<10000x144xf32, #tpu.memory_space<vmem_shared>> -> memref<80x144xf32, #tpu.memory_space<vmem_shared>>
      %dma_wait3A_121 = arith.constant 0 : i32
      %dma_wait3A_122 = tpu.memref_slice %arg16[%add3A_68, %dma_wait3A_121] : memref<10000x144xf32, #tpu.memory_space<vmem_shared>> -> memref<80x144xf32, #tpu.memory_space<vmem_shared>>
      tpu.wait_dma2 semaphore(%run_scoped3A : memref<!tpu.dma_semaphore, #tpu.memory_space<semaphore_mem>>) src(%arg14 : memref<80x144xf32, #tpu.memory_space<vmem>>) dst(%dma_wait3A_122 : memref<80x144xf32, #tpu.memory_space<vmem_shared>>)
      tpu.yield
    }) : () -> ()
    %mul3A_69 = arith.constant 625 : i32
    %mul3A_70 = arith.muli %arg1, %mul3A_69 : i32
    %add3A_71 = arith.constant 80 : i32
    %add3A_72 = arith.addi %mul3A_70, %add3A_71 : i32
    "tpu.region"() ({
      %run_scoped3A = tpu.sem_alloc : memref<!tpu.dma_semaphore, #tpu.memory_space<semaphore_mem>>
      %dma_start3A = arith.constant 0 : i32
      %dma_start3A_117 = tpu.memref_slice %arg16[%add3A_72, %dma_start3A] : memref<10000x144xf32, #tpu.memory_space<vmem_shared>> -> memref<80x144xf32, #tpu.memory_space<vmem_shared>>
      %dma_start3A_118 = arith.constant 0 : i32
      %dma_start3A_119 = tpu.memref_slice %arg16[%add3A_72, %dma_start3A_118] : memref<10000x144xf32, #tpu.memory_space<vmem_shared>> -> memref<80x144xf32, #tpu.memory_space<vmem_shared>>
      tpu.enqueue_dma source(%arg14 : memref<80x144xf32, #tpu.memory_space<vmem>>) target(%dma_start3A_119 : memref<80x144xf32, #tpu.memory_space<vmem_shared>>) target_semaphore(%run_scoped3A : memref<!tpu.dma_semaphore, #tpu.memory_space<semaphore_mem>>)
      %dma_wait3A = arith.constant 0 : i32
      %dma_wait3A_120 = tpu.memref_slice %arg16[%add3A_72, %dma_wait3A] : memref<10000x144xf32, #tpu.memory_space<vmem_shared>> -> memref<80x144xf32, #tpu.memory_space<vmem_shared>>
      %dma_wait3A_121 = arith.constant 0 : i32
      %dma_wait3A_122 = tpu.memref_slice %arg16[%add3A_72, %dma_wait3A_121] : memref<10000x144xf32, #tpu.memory_space<vmem_shared>> -> memref<80x144xf32, #tpu.memory_space<vmem_shared>>
      tpu.wait_dma2 semaphore(%run_scoped3A : memref<!tpu.dma_semaphore, #tpu.memory_space<semaphore_mem>>) src(%arg14 : memref<80x144xf32, #tpu.memory_space<vmem>>) dst(%dma_wait3A_122 : memref<80x144xf32, #tpu.memory_space<vmem_shared>>)
      tpu.yield
    }) : () -> ()
    %mul3A_73 = arith.constant 625 : i32
    %mul3A_74 = arith.muli %arg1, %mul3A_73 : i32
    %add3A_75 = arith.constant 160 : i32
    %add3A_76 = arith.addi %mul3A_74, %add3A_75 : i32
    "tpu.region"() ({
      %run_scoped3A = tpu.sem_alloc : memref<!tpu.dma_semaphore, #tpu.memory_space<semaphore_mem>>
      %dma_start3A = arith.constant 0 : i32
      %dma_start3A_117 = tpu.memref_slice %arg16[%add3A_76, %dma_start3A] : memref<10000x144xf32, #tpu.memory_space<vmem_shared>> -> memref<80x144xf32, #tpu.memory_space<vmem_shared>>
      %dma_start3A_118 = arith.constant 0 : i32
      %dma_start3A_119 = tpu.memref_slice %arg16[%add3A_76, %dma_start3A_118] : memref<10000x144xf32, #tpu.memory_space<vmem_shared>> -> memref<80x144xf32, #tpu.memory_space<vmem_shared>>
      tpu.enqueue_dma source(%arg14 : memref<80x144xf32, #tpu.memory_space<vmem>>) target(%dma_start3A_119 : memref<80x144xf32, #tpu.memory_space<vmem_shared>>) target_semaphore(%run_scoped3A : memref<!tpu.dma_semaphore, #tpu.memory_space<semaphore_mem>>)
      %dma_wait3A = arith.constant 0 : i32
      %dma_wait3A_120 = tpu.memref_slice %arg16[%add3A_76, %dma_wait3A] : memref<10000x144xf32, #tpu.memory_space<vmem_shared>> -> memref<80x144xf32, #tpu.memory_space<vmem_shared>>
      %dma_wait3A_121 = arith.constant 0 : i32
      %dma_wait3A_122 = tpu.memref_slice %arg16[%add3A_76, %dma_wait3A_121] : memref<10000x144xf32, #tpu.memory_space<vmem_shared>> -> memref<80x144xf32, #tpu.memory_space<vmem_shared>>
      tpu.wait_dma2 semaphore(%run_scoped3A : memref<!tpu.dma_semaphore, #tpu.memory_space<semaphore_mem>>) src(%arg14 : memref<80x144xf32, #tpu.memory_space<vmem>>) dst(%dma_wait3A_122 : memref<80x144xf32, #tpu.memory_space<vmem_shared>>)
      tpu.yield
    }) : () -> ()
    %mul3A_77 = arith.constant 625 : i32
    %mul3A_78 = arith.muli %arg1, %mul3A_77 : i32
    %add3A_79 = arith.constant 240 : i32
    %add3A_80 = arith.addi %mul3A_78, %add3A_79 : i32
    "tpu.region"() ({
      %run_scoped3A = tpu.sem_alloc : memref<!tpu.dma_semaphore, #tpu.memory_space<semaphore_mem>>
      %dma_start3A = arith.constant 0 : i32
      %dma_start3A_117 = tpu.memref_slice %arg16[%add3A_80, %dma_start3A] : memref<10000x144xf32, #tpu.memory_space<vmem_shared>> -> memref<80x144xf32, #tpu.memory_space<vmem_shared>>
      %dma_start3A_118 = arith.constant 0 : i32
      %dma_start3A_119 = tpu.memref_slice %arg16[%add3A_80, %dma_start3A_118] : memref<10000x144xf32, #tpu.memory_space<vmem_shared>> -> memref<80x144xf32, #tpu.memory_space<vmem_shared>>
      tpu.enqueue_dma source(%arg14 : memref<80x144xf32, #tpu.memory_space<vmem>>) target(%dma_start3A_119 : memref<80x144xf32, #tpu.memory_space<vmem_shared>>) target_semaphore(%run_scoped3A : memref<!tpu.dma_semaphore, #tpu.memory_space<semaphore_mem>>)
      %dma_wait3A = arith.constant 0 : i32
      %dma_wait3A_120 = tpu.memref_slice %arg16[%add3A_80, %dma_wait3A] : memref<10000x144xf32, #tpu.memory_space<vmem_shared>> -> memref<80x144xf32, #tpu.memory_space<vmem_shared>>
      %dma_wait3A_121 = arith.constant 0 : i32
      %dma_wait3A_122 = tpu.memref_slice %arg16[%add3A_80, %dma_wait3A_121] : memref<10000x144xf32, #tpu.memory_space<vmem_shared>> -> memref<80x144xf32, #tpu.memory_space<vmem_shared>>
      tpu.wait_dma2 semaphore(%run_scoped3A : memref<!tpu.dma_semaphore, #tpu.memory_space<semaphore_mem>>) src(%arg14 : memref<80x144xf32, #tpu.memory_space<vmem>>) dst(%dma_wait3A_122 : memref<80x144xf32, #tpu.memory_space<vmem_shared>>)
      tpu.yield
    }) : () -> ()
    %mul3A_81 = arith.constant 625 : i32
    %mul3A_82 = arith.muli %arg1, %mul3A_81 : i32
    %add3A_83 = arith.constant 320 : i32
    %add3A_84 = arith.addi %mul3A_82, %add3A_83 : i32
    "tpu.region"() ({
      %run_scoped3A = tpu.sem_alloc : memref<!tpu.dma_semaphore, #tpu.memory_space<semaphore_mem>>
      %dma_start3A = arith.constant 0 : i32
      %dma_start3A_117 = tpu.memref_slice %arg16[%add3A_84, %dma_start3A] : memref<10000x144xf32, #tpu.memory_space<vmem_shared>> -> memref<80x144xf32, #tpu.memory_space<vmem_shared>>
      %dma_start3A_118 = arith.constant 0 : i32
      %dma_start3A_119 = tpu.memref_slice %arg16[%add3A_84, %dma_start3A_118] : memref<10000x144xf32, #tpu.memory_space<vmem_shared>> -> memref<80x144xf32, #tpu.memory_space<vmem_shared>>
      tpu.enqueue_dma source(%arg14 : memref<80x144xf32, #tpu.memory_space<vmem>>) target(%dma_start3A_119 : memref<80x144xf32, #tpu.memory_space<vmem_shared>>) target_semaphore(%run_scoped3A : memref<!tpu.dma_semaphore, #tpu.memory_space<semaphore_mem>>)
      %dma_wait3A = arith.constant 0 : i32
      %dma_wait3A_120 = tpu.memref_slice %arg16[%add3A_84, %dma_wait3A] : memref<10000x144xf32, #tpu.memory_space<vmem_shared>> -> memref<80x144xf32, #tpu.memory_space<vmem_shared>>
      %dma_wait3A_121 = arith.constant 0 : i32
      %dma_wait3A_122 = tpu.memref_slice %arg16[%add3A_84, %dma_wait3A_121] : memref<10000x144xf32, #tpu.memory_space<vmem_shared>> -> memref<80x144xf32, #tpu.memory_space<vmem_shared>>
      tpu.wait_dma2 semaphore(%run_scoped3A : memref<!tpu.dma_semaphore, #tpu.memory_space<semaphore_mem>>) src(%arg14 : memref<80x144xf32, #tpu.memory_space<vmem>>) dst(%dma_wait3A_122 : memref<80x144xf32, #tpu.memory_space<vmem_shared>>)
      tpu.yield
    }) : () -> ()
    %mul3A_85 = arith.constant 625 : i32
    %mul3A_86 = arith.muli %arg1, %mul3A_85 : i32
    %add3A_87 = arith.constant 400 : i32
    %add3A_88 = arith.addi %mul3A_86, %add3A_87 : i32
    "tpu.region"() ({
      %run_scoped3A = tpu.sem_alloc : memref<!tpu.dma_semaphore, #tpu.memory_space<semaphore_mem>>
      %dma_start3A = arith.constant 0 : i32
      %dma_start3A_117 = tpu.memref_slice %arg16[%add3A_88, %dma_start3A] : memref<10000x144xf32, #tpu.memory_space<vmem_shared>> -> memref<80x144xf32, #tpu.memory_space<vmem_shared>>
      %dma_start3A_118 = arith.constant 0 : i32
      %dma_start3A_119 = tpu.memref_slice %arg16[%add3A_88, %dma_start3A_118] : memref<10000x144xf32, #tpu.memory_space<vmem_shared>> -> memref<80x144xf32, #tpu.memory_space<vmem_shared>>
      tpu.enqueue_dma source(%arg14 : memref<80x144xf32, #tpu.memory_space<vmem>>) target(%dma_start3A_119 : memref<80x144xf32, #tpu.memory_space<vmem_shared>>) target_semaphore(%run_scoped3A : memref<!tpu.dma_semaphore, #tpu.memory_space<semaphore_mem>>)
      %dma_wait3A = arith.constant 0 : i32
      %dma_wait3A_120 = tpu.memref_slice %arg16[%add3A_88, %dma_wait3A] : memref<10000x144xf32, #tpu.memory_space<vmem_shared>> -> memref<80x144xf32, #tpu.memory_space<vmem_shared>>
      %dma_wait3A_121 = arith.constant 0 : i32
      %dma_wait3A_122 = tpu.memref_slice %arg16[%add3A_88, %dma_wait3A_121] : memref<10000x144xf32, #tpu.memory_space<vmem_shared>> -> memref<80x144xf32, #tpu.memory_space<vmem_shared>>
      tpu.wait_dma2 semaphore(%run_scoped3A : memref<!tpu.dma_semaphore, #tpu.memory_space<semaphore_mem>>) src(%arg14 : memref<80x144xf32, #tpu.memory_space<vmem>>) dst(%dma_wait3A_122 : memref<80x144xf32, #tpu.memory_space<vmem_shared>>)
      tpu.yield
    }) : () -> ()
    %mul3A_89 = arith.constant 625 : i32
    %mul3A_90 = arith.muli %arg1, %mul3A_89 : i32
    %add3A_91 = arith.constant 480 : i32
    %add3A_92 = arith.addi %mul3A_90, %add3A_91 : i32
    "tpu.region"() ({
      %run_scoped3A = tpu.sem_alloc : memref<!tpu.dma_semaphore, #tpu.memory_space<semaphore_mem>>
      %dma_start3A = arith.constant 0 : i32
      %dma_start3A_117 = tpu.memref_slice %arg16[%add3A_92, %dma_start3A] : memref<10000x144xf32, #tpu.memory_space<vmem_shared>> -> memref<80x144xf32, #tpu.memory_space<vmem_shared>>
      %dma_start3A_118 = arith.constant 0 : i32
      %dma_start3A_119 = tpu.memref_slice %arg16[%add3A_92, %dma_start3A_118] : memref<10000x144xf32, #tpu.memory_space<vmem_shared>> -> memref<80x144xf32, #tpu.memory_space<vmem_shared>>
      tpu.enqueue_dma source(%arg14 : memref<80x144xf32, #tpu.memory_space<vmem>>) target(%dma_start3A_119 : memref<80x144xf32, #tpu.memory_space<vmem_shared>>) target_semaphore(%run_scoped3A : memref<!tpu.dma_semaphore, #tpu.memory_space<semaphore_mem>>)
      %dma_wait3A = arith.constant 0 : i32
      %dma_wait3A_120 = tpu.memref_slice %arg16[%add3A_92, %dma_wait3A] : memref<10000x144xf32, #tpu.memory_space<vmem_shared>> -> memref<80x144xf32, #tpu.memory_space<vmem_shared>>
      %dma_wait3A_121 = arith.constant 0 : i32
      %dma_wait3A_122 = tpu.memref_slice %arg16[%add3A_92, %dma_wait3A_121] : memref<10000x144xf32, #tpu.memory_space<vmem_shared>> -> memref<80x144xf32, #tpu.memory_space<vmem_shared>>
      tpu.wait_dma2 semaphore(%run_scoped3A : memref<!tpu.dma_semaphore, #tpu.memory_space<semaphore_mem>>) src(%arg14 : memref<80x144xf32, #tpu.memory_space<vmem>>) dst(%dma_wait3A_122 : memref<80x144xf32, #tpu.memory_space<vmem_shared>>)
      tpu.yield
    }) : () -> ()
    %mul3A_93 = arith.constant 625 : i32
    %mul3A_94 = arith.muli %arg1, %mul3A_93 : i32
    %add3A_95 = arith.constant 560 : i32
    %add3A_96 = arith.addi %mul3A_94, %add3A_95 : i32
    "tpu.region"() ({
      %run_scoped3A = tpu.sem_alloc : memref<!tpu.dma_semaphore, #tpu.memory_space<semaphore_mem>>
      %dma_start3A = arith.constant 0 : i32
      %dma_start3A_117 = arith.constant 0 : i32
      %dma_start3A_118 = tpu.memref_slice %arg14[%dma_start3A, %dma_start3A_117] : memref<80x144xf32, #tpu.memory_space<vmem>> -> memref<65x144xf32, #tpu.memory_space<vmem>>
      %dma_start3A_119 = arith.constant 0 : i32
      %dma_start3A_120 = tpu.memref_slice %arg16[%add3A_96, %dma_start3A_119] : memref<10000x144xf32, #tpu.memory_space<vmem_shared>> -> memref<65x144xf32, #tpu.memory_space<vmem_shared>>
      %dma_start3A_121 = arith.constant 0 : i32
      %dma_start3A_122 = tpu.memref_slice %arg16[%add3A_96, %dma_start3A_121] : memref<10000x144xf32, #tpu.memory_space<vmem_shared>> -> memref<65x144xf32, #tpu.memory_space<vmem_shared>>
      %dma_start3A_123 = arith.constant 0 : i32
      %dma_start3A_124 = arith.constant 0 : i32
      %dma_start3A_125 = tpu.memref_slice %arg14[%dma_start3A_123, %dma_start3A_124] : memref<80x144xf32, #tpu.memory_space<vmem>> -> memref<65x144xf32, #tpu.memory_space<vmem>>
      tpu.enqueue_dma source(%dma_start3A_125 : memref<65x144xf32, #tpu.memory_space<vmem>>) target(%dma_start3A_122 : memref<65x144xf32, #tpu.memory_space<vmem_shared>>) target_semaphore(%run_scoped3A : memref<!tpu.dma_semaphore, #tpu.memory_space<semaphore_mem>>)
      %dma_wait3A = arith.constant 0 : i32
      %dma_wait3A_126 = arith.constant 0 : i32
      %dma_wait3A_127 = tpu.memref_slice %arg14[%dma_wait3A, %dma_wait3A_126] : memref<80x144xf32, #tpu.memory_space<vmem>> -> memref<65x144xf32, #tpu.memory_space<vmem>>
      %dma_wait3A_128 = arith.constant 0 : i32
      %dma_wait3A_129 = tpu.memref_slice %arg16[%add3A_96, %dma_wait3A_128] : memref<10000x144xf32, #tpu.memory_space<vmem_shared>> -> memref<65x144xf32, #tpu.memory_space<vmem_shared>>
      %dma_wait3A_130 = arith.constant 0 : i32
      %dma_wait3A_131 = tpu.memref_slice %arg16[%add3A_96, %dma_wait3A_130] : memref<10000x144xf32, #tpu.memory_space<vmem_shared>> -> memref<65x144xf32, #tpu.memory_space<vmem_shared>>
      %dma_wait3A_132 = arith.constant 0 : i32
      %dma_wait3A_133 = arith.constant 0 : i32
      %dma_wait3A_134 = tpu.memref_slice %arg14[%dma_wait3A_132, %dma_wait3A_133] : memref<80x144xf32, #tpu.memory_space<vmem>> -> memref<65x144xf32, #tpu.memory_space<vmem>>
      tpu.wait_dma2 semaphore(%run_scoped3A : memref<!tpu.dma_semaphore, #tpu.memory_space<semaphore_mem>>) src(%dma_wait3A_134 : memref<65x144xf32, #tpu.memory_space<vmem>>) dst(%dma_wait3A_131 : memref<65x144xf32, #tpu.memory_space<vmem_shared>>)
      tpu.yield
    }) : () -> ()
    "tpu.region"() ({
      %run_scoped3A = tpu.sem_alloc : memref<!tpu.dma_semaphore, #tpu.memory_space<semaphore_mem>>
      %dma_start3A = arith.constant 0 : i32
      %dma_start3A_117 = tpu.memref_slice %arg6[%add3A_58, %dma_start3A] : memref<4x128xf32, #tpu.memory_space<hbm>> -> memref<1x128xf32, #tpu.memory_space<hbm>>
      %dma_start3A_118 = tpu.memref_squeeze %dma_start3A_117 : memref<1x128xf32, #tpu.memory_space<hbm>> -> memref<128xf32, #tpu.memory_space<hbm>>
      %dma_start3A_119 = arith.constant 0 : i32
      %dma_start3A_120 = tpu.memref_slice %arg6[%add3A_58, %dma_start3A_119] : memref<4x128xf32, #tpu.memory_space<hbm>> -> memref<1x128xf32, #tpu.memory_space<hbm>>
      %dma_start3A_121 = tpu.memref_squeeze %dma_start3A_120 : memref<1x128xf32, #tpu.memory_space<hbm>> -> memref<128xf32, #tpu.memory_space<hbm>>
      tpu.enqueue_dma source(%dma_start3A_121 : memref<128xf32, #tpu.memory_space<hbm>>) target(%arg15 : memref<128xf32, #tpu.memory_space<vmem>>) target_semaphore(%run_scoped3A : memref<!tpu.dma_semaphore, #tpu.memory_space<semaphore_mem>>)
      %dma_wait3A = arith.constant 0 : i32
      %dma_wait3A_122 = tpu.memref_slice %arg6[%add3A_58, %dma_wait3A] : memref<4x128xf32, #tpu.memory_space<hbm>> -> memref<1x128xf32, #tpu.memory_space<hbm>>
      %dma_wait3A_123 = tpu.memref_squeeze %dma_wait3A_122 : memref<1x128xf32, #tpu.memory_space<hbm>> -> memref<128xf32, #tpu.memory_space<hbm>>
      %dma_wait3A_124 = arith.constant 0 : i32
      %dma_wait3A_125 = tpu.memref_slice %arg6[%add3A_58, %dma_wait3A_124] : memref<4x128xf32, #tpu.memory_space<hbm>> -> memref<1x128xf32, #tpu.memory_space<hbm>>
      %dma_wait3A_126 = tpu.memref_squeeze %dma_wait3A_125 : memref<1x128xf32, #tpu.memory_space<hbm>> -> memref<128xf32, #tpu.memory_space<hbm>>
      tpu.wait_dma2 semaphore(%run_scoped3A : memref<!tpu.dma_semaphore, #tpu.memory_space<semaphore_mem>>) src(%dma_wait3A_126 : memref<128xf32, #tpu.memory_space<hbm>>) dst(%arg15 : memref<128xf32, #tpu.memory_space<vmem>>)
      tpu.yield
    }) : () -> ()
    %barrier3A_97 = arith.constant 0 : index
    tpu.barrier barrier_id(%barrier3A_97)
    %mul3A_98 = arith.constant 10000 : i32
    %mul3A_99 = arith.muli %arg1, %mul3A_98 : i32
    %add3A_100 = arith.constant 160000 : i32
    %add3A_101 = arith.addi %add3A_100, %mul3A_99 : i32
    %scan3A_102 = arith.constant 0 : i32
    %scan3A_103 = arith.constant 0 : i32
    %scan3A_104 = arith.constant 125 : i32
    %scan3A_105 = arith.addi %scan3A_103, %scan3A_104 : i32
    %scan3A_106 = arith.constant 1 : i32
    scf.for %scan3A_117 = %scan3A_103 to %scan3A_105 step %scan3A_106  : i32 {
      %mul3A_118 = arith.constant 80 : i32
      %mul3A_119 = arith.muli %scan3A_117, %mul3A_118 : i32
      %add3A_120 = arith.addi %add3A_101, %mul3A_119 : i32
      "tpu.region"() ({
        %run_scoped3A = tpu.sem_alloc : memref<!tpu.dma_semaphore, #tpu.memory_space<semaphore_mem>>
        %dma_start3A_215 = tpu.memref_slice %arg4[%add3A_120] : memref<320000xi32, #tpu.memory_space<hbm>> -> memref<80xi32, #tpu.memory_space<hbm>>
        %dma_start3A_216 = tpu.memref_slice %arg4[%add3A_120] : memref<320000xi32, #tpu.memory_space<hbm>> -> memref<80xi32, #tpu.memory_space<hbm>>
        tpu.enqueue_dma source(%dma_start3A_216 : memref<80xi32, #tpu.memory_space<hbm>>) target(%arg8 : memref<80xi32, #tpu.memory_space<vmem>>) target_semaphore(%run_scoped3A : memref<!tpu.dma_semaphore, #tpu.memory_space<semaphore_mem>>)
        %dma_wait3A_217 = tpu.memref_slice %arg4[%add3A_120] : memref<320000xi32, #tpu.memory_space<hbm>> -> memref<80xi32, #tpu.memory_space<hbm>>
        %dma_wait3A_218 = tpu.memref_slice %arg4[%add3A_120] : memref<320000xi32, #tpu.memory_space<hbm>> -> memref<80xi32, #tpu.memory_space<hbm>>
        tpu.wait_dma2 semaphore(%run_scoped3A : memref<!tpu.dma_semaphore, #tpu.memory_space<semaphore_mem>>) src(%dma_wait3A_218 : memref<80xi32, #tpu.memory_space<hbm>>) dst(%arg8 : memref<80xi32, #tpu.memory_space<vmem>>)
        tpu.yield
      }) : () -> ()
      "tpu.region"() ({
        %run_scoped3A = tpu.sem_alloc : memref<!tpu.dma_semaphore, #tpu.memory_space<semaphore_mem>>
        %dma_start3A_215 = tpu.memref_slice %arg5[%add3A_120] : memref<320000xi32, #tpu.memory_space<hbm>> -> memref<80xi32, #tpu.memory_space<hbm>>
        %dma_start3A_216 = tpu.memref_slice %arg5[%add3A_120] : memref<320000xi32, #tpu.memory_space<hbm>> -> memref<80xi32, #tpu.memory_space<hbm>>
        tpu.enqueue_dma source(%dma_start3A_216 : memref<80xi32, #tpu.memory_space<hbm>>) target(%arg9 : memref<80xi32, #tpu.memory_space<vmem>>) target_semaphore(%run_scoped3A : memref<!tpu.dma_semaphore, #tpu.memory_space<semaphore_mem>>)
        %dma_wait3A_217 = tpu.memref_slice %arg5[%add3A_120] : memref<320000xi32, #tpu.memory_space<hbm>> -> memref<80xi32, #tpu.memory_space<hbm>>
        %dma_wait3A_218 = tpu.memref_slice %arg5[%add3A_120] : memref<320000xi32, #tpu.memory_space<hbm>> -> memref<80xi32, #tpu.memory_space<hbm>>
        tpu.wait_dma2 semaphore(%run_scoped3A : memref<!tpu.dma_semaphore, #tpu.memory_space<semaphore_mem>>) src(%dma_wait3A_218 : memref<80xi32, #tpu.memory_space<hbm>>) dst(%arg9 : memref<80xi32, #tpu.memory_space<vmem>>)
        tpu.yield
      }) : () -> ()
      %get3A = arith.constant 0 : index
      %get3A_121 = tpu.vector_load %arg8[%get3A] {strides = array<i32>} : memref<80xi32, #tpu.memory_space<vmem>>, vector<16xi32>,
      %mul3A_122 = arith.constant 10000 : i32
      %mul3A_123 = arith.muli %add3A_58, %mul3A_122 : i32
      %add3A_124 = vector.broadcast %mul3A_123 : i32 to vector<16xi32>
      %add3A_125 = arith.addi %get3A_121, %add3A_124 : vector<16xi32>
      %swap3A = arith.constant 0 : index
      %swap3A_126 = tpu.vector_load %arg10[%swap3A] {strides = array<i32>} : memref<80xi32, #tpu.memory_space<vmem>>, vector<16xi32>,
      tpu.vector_store %arg10[%swap3A], %add3A_125 {strides = array<i32>} : memref<80xi32, #tpu.memory_space<vmem>>, vector<16xi32>,
      %get3A_127 = arith.constant 0 : index
      %get3A_128 = tpu.vector_load %arg9[%get3A_127] {strides = array<i32>} : memref<80xi32, #tpu.memory_space<vmem>>, vector<16xi32>,
      %mul3A_129 = arith.constant 10000 : i32
      %mul3A_130 = arith.muli %add3A_58, %mul3A_129 : i32
      %add3A_131 = vector.broadcast %mul3A_130 : i32 to vector<16xi32>
      %add3A_132 = arith.addi %get3A_128, %add3A_131 : vector<16xi32>
      %swap3A_133 = arith.constant 0 : index
      %swap3A_134 = tpu.vector_load %arg11[%swap3A_133] {strides = array<i32>} : memref<80xi32, #tpu.memory_space<vmem>>, vector<16xi32>,
      tpu.vector_store %arg11[%swap3A_133], %add3A_132 {strides = array<i32>} : memref<80xi32, #tpu.memory_space<vmem>>, vector<16xi32>,
      %get3A_135 = arith.constant 16 : index
      %get3A_136 = tpu.vector_load %arg8[%get3A_135] {strides = array<i32>} : memref<80xi32, #tpu.memory_space<vmem>>, vector<16xi32>,
      %mul3A_137 = arith.constant 10000 : i32
      %mul3A_138 = arith.muli %add3A_58, %mul3A_137 : i32
      %add3A_139 = vector.broadcast %mul3A_138 : i32 to vector<16xi32>
      %add3A_140 = arith.addi %get3A_136, %add3A_139 : vector<16xi32>
      %swap3A_141 = arith.constant 16 : index
      %swap3A_142 = tpu.vector_load %arg10[%swap3A_141] {strides = array<i32>} : memref<80xi32, #tpu.memory_space<vmem>>, vector<16xi32>,
      tpu.vector_store %arg10[%swap3A_141], %add3A_140 {strides = array<i32>} : memref<80xi32, #tpu.memory_space<vmem>>, vector<16xi32>,
      %get3A_143 = arith.constant 16 : index
      %get3A_144 = tpu.vector_load %arg9[%get3A_143] {strides = array<i32>} : memref<80xi32, #tpu.memory_space<vmem>>, vector<16xi32>,
      %mul3A_145 = arith.constant 10000 : i32
      %mul3A_146 = arith.muli %add3A_58, %mul3A_145 : i32
      %add3A_147 = vector.broadcast %mul3A_146 : i32 to vector<16xi32>
      %add3A_148 = arith.addi %get3A_144, %add3A_147 : vector<16xi32>
      %swap3A_149 = arith.constant 16 : index
      %swap3A_150 = tpu.vector_load %arg11[%swap3A_149] {strides = array<i32>} : memref<80xi32, #tpu.memory_space<vmem>>, vector<16xi32>,
      tpu.vector_store %arg11[%swap3A_149], %add3A_148 {strides = array<i32>} : memref<80xi32, #tpu.memory_space<vmem>>, vector<16xi32>,
      %get3A_151 = arith.constant 32 : index
      %get3A_152 = tpu.vector_load %arg8[%get3A_151] {strides = array<i32>} : memref<80xi32, #tpu.memory_space<vmem>>, vector<16xi32>,
      %mul3A_153 = arith.constant 10000 : i32
      %mul3A_154 = arith.muli %add3A_58, %mul3A_153 : i32
      %add3A_155 = vector.broadcast %mul3A_154 : i32 to vector<16xi32>
      %add3A_156 = arith.addi %get3A_152, %add3A_155 : vector<16xi32>
      %swap3A_157 = arith.constant 32 : index
      %swap3A_158 = tpu.vector_load %arg10[%swap3A_157] {strides = array<i32>} : memref<80xi32, #tpu.memory_space<vmem>>, vector<16xi32>,
      tpu.vector_store %arg10[%swap3A_157], %add3A_156 {strides = array<i32>} : memref<80xi32, #tpu.memory_space<vmem>>, vector<16xi32>,
      %get3A_159 = arith.constant 32 : index
      %get3A_160 = tpu.vector_load %arg9[%get3A_159] {strides = array<i32>} : memref<80xi32, #tpu.memory_space<vmem>>, vector<16xi32>,
      %mul3A_161 = arith.constant 10000 : i32
      %mul3A_162 = arith.muli %add3A_58, %mul3A_161 : i32
      %add3A_163 = vector.broadcast %mul3A_162 : i32 to vector<16xi32>
      %add3A_164 = arith.addi %get3A_160, %add3A_163 : vector<16xi32>
      %swap3A_165 = arith.constant 32 : index
      %swap3A_166 = tpu.vector_load %arg11[%swap3A_165] {strides = array<i32>} : memref<80xi32, #tpu.memory_space<vmem>>, vector<16xi32>,
      tpu.vector_store %arg11[%swap3A_165], %add3A_164 {strides = array<i32>} : memref<80xi32, #tpu.memory_space<vmem>>, vector<16xi32>,
      %get3A_167 = arith.constant 48 : index
      %get3A_168 = tpu.vector_load %arg8[%get3A_167] {strides = array<i32>} : memref<80xi32, #tpu.memory_space<vmem>>, vector<16xi32>,
      %mul3A_169 = arith.constant 10000 : i32
      %mul3A_170 = arith.muli %add3A_58, %mul3A_169 : i32
      %add3A_171 = vector.broadcast %mul3A_170 : i32 to vector<16xi32>
      %add3A_172 = arith.addi %get3A_168, %add3A_171 : vector<16xi32>
      %swap3A_173 = arith.constant 48 : index
      %swap3A_174 = tpu.vector_load %arg10[%swap3A_173] {strides = array<i32>} : memref<80xi32, #tpu.memory_space<vmem>>, vector<16xi32>,
      tpu.vector_store %arg10[%swap3A_173], %add3A_172 {strides = array<i32>} : memref<80xi32, #tpu.memory_space<vmem>>, vector<16xi32>,
      %get3A_175 = arith.constant 48 : index
      %get3A_176 = tpu.vector_load %arg9[%get3A_175] {strides = array<i32>} : memref<80xi32, #tpu.memory_space<vmem>>, vector<16xi32>,
      %mul3A_177 = arith.constant 10000 : i32
      %mul3A_178 = arith.muli %add3A_58, %mul3A_177 : i32
      %add3A_179 = vector.broadcast %mul3A_178 : i32 to vector<16xi32>
      %add3A_180 = arith.addi %get3A_176, %add3A_179 : vector<16xi32>
      %swap3A_181 = arith.constant 48 : index
      %swap3A_182 = tpu.vector_load %arg11[%swap3A_181] {strides = array<i32>} : memref<80xi32, #tpu.memory_space<vmem>>, vector<16xi32>,
      tpu.vector_store %arg11[%swap3A_181], %add3A_180 {strides = array<i32>} : memref<80xi32, #tpu.memory_space<vmem>>, vector<16xi32>,
      %get3A_183 = arith.constant 64 : index
      %get3A_184 = tpu.vector_load %arg8[%get3A_183] {strides = array<i32>} : memref<80xi32, #tpu.memory_space<vmem>>, vector<16xi32>,
      %mul3A_185 = arith.constant 10000 : i32
      %mul3A_186 = arith.muli %add3A_58, %mul3A_185 : i32
      %add3A_187 = vector.broadcast %mul3A_186 : i32 to vector<16xi32>
      %add3A_188 = arith.addi %get3A_184, %add3A_187 : vector<16xi32>
      %swap3A_189 = arith.constant 64 : index
      %swap3A_190 = tpu.vector_load %arg10[%swap3A_189] {strides = array<i32>} : memref<80xi32, #tpu.memory_space<vmem>>, vector<16xi32>,
      tpu.vector_store %arg10[%swap3A_189], %add3A_188 {strides = array<i32>} : memref<80xi32, #tpu.memory_space<vmem>>, vector<16xi32>,
      %get3A_191 = arith.constant 64 : index
      %get3A_192 = tpu.vector_load %arg9[%get3A_191] {strides = array<i32>} : memref<80xi32, #tpu.memory_space<vmem>>, vector<16xi32>,
      %mul3A_193 = arith.constant 10000 : i32
      %mul3A_194 = arith.muli %add3A_58, %mul3A_193 : i32
      %add3A_195 = vector.broadcast %mul3A_194 : i32 to vector<16xi32>
      %add3A_196 = arith.addi %get3A_192, %add3A_195 : vector<16xi32>
      %swap3A_197 = arith.constant 64 : index
      %swap3A_198 = tpu.vector_load %arg11[%swap3A_197] {strides = array<i32>} : memref<80xi32, #tpu.memory_space<vmem>>, vector<16xi32>,
      tpu.vector_store %arg11[%swap3A_197], %add3A_196 {strides = array<i32>} : memref<80xi32, #tpu.memory_space<vmem>>, vector<16xi32>,
      %dma_start3A = arith.constant 0 : i32
      %dma_start3A_199 = arith.constant 0 : i32
      %dma_start3A_200 = tpu.memref_slice %arg2[%dma_start3A, %dma_start3A_199] : memref<40000x128xf32, #tpu.memory_space<hbm>> -> memref<40000x128xf32, #tpu.memory_space<hbm>>
      tpu.enqueue_indirect_dma source(%dma_start3A_200 : memref<40000x128xf32, #tpu.memory_space<hbm>>) target(%arg12 : memref<80x128xf32, #tpu.memory_space<vmem>>) offsets(%arg10 : memref<80xi32, #tpu.memory_space<vmem>>) semaphore(%arg17 : memref<!tpu.dma_semaphore, #tpu.memory_space<semaphore_mem>>)
      %dma_wait3A = arith.constant 0 : i32
      %dma_wait3A_201 = arith.constant 0 : i32
      %dma_wait3A_202 = tpu.memref_slice %arg2[%dma_wait3A, %dma_wait3A_201] : memref<40000x128xf32, #tpu.memory_space<hbm>> -> memref<40000x128xf32, #tpu.memory_space<hbm>>
      tpu.wait_indirect_dma semaphore(%arg17 : memref<!tpu.dma_semaphore, #tpu.memory_space<semaphore_mem>>) src(%dma_wait3A_202 : memref<40000x128xf32, #tpu.memory_space<hbm>>) dst(%arg12 : memref<80x128xf32, #tpu.memory_space<vmem>>)
      %dma_start3A_203 = arith.constant 0 : i32
      %dma_start3A_204 = arith.constant 0 : i32
      %dma_start3A_205 = tpu.memref_slice %arg3[%dma_start3A_203, %dma_start3A_204] : memref<40000x128xf32, #tpu.memory_space<hbm>> -> memref<40000x128xf32, #tpu.memory_space<hbm>>
      tpu.enqueue_indirect_dma source(%dma_start3A_205 : memref<40000x128xf32, #tpu.memory_space<hbm>>) target(%arg13 : memref<80x128xf32, #tpu.memory_space<vmem>>) offsets(%arg11 : memref<80xi32, #tpu.memory_space<vmem>>) semaphore(%arg18 : memref<!tpu.dma_semaphore, #tpu.memory_space<semaphore_mem>>)
      %dma_wait3A_206 = arith.constant 0 : i32
      %dma_wait3A_207 = arith.constant 0 : i32
      %dma_wait3A_208 = tpu.memref_slice %arg3[%dma_wait3A_206, %dma_wait3A_207] : memref<40000x128xf32, #tpu.memory_space<hbm>> -> memref<40000x128xf32, #tpu.memory_space<hbm>>
      tpu.wait_indirect_dma semaphore(%arg18 : memref<!tpu.dma_semaphore, #tpu.memory_space<semaphore_mem>>) src(%dma_wait3A_208 : memref<40000x128xf32, #tpu.memory_space<hbm>>) dst(%arg13 : memref<80x128xf32, #tpu.memory_space<vmem>>)
      %scan3A_209 = arith.constant 0 : i32
      %scan3A_210 = arith.constant 0 : i32
      %scan3A_211 = arith.constant 80 : i32
      %scan3A_212 = arith.addi %scan3A_210, %scan3A_211 : i32
      %scan3A_213 = arith.constant 1 : i32
      scf.for %scan3A_215 = %scan3A_210 to %scan3A_212 step %scan3A_213  : i32 {
        %get3A_216 = arith.index_cast %scan3A_215 : i32 to index
        %get3A_217 = arith.constant 0 : index
        %get3A_218 = tpu.vector_load %arg12[%get3A_216, %get3A_217] {strides = array<i32>} : memref<80x128xf32, #tpu.memory_space<vmem>>, vector<16xf32>,
        %get3A_219 = arith.index_cast %scan3A_215 : i32 to index
        %get3A_220 = arith.constant 0 : index
        %get3A_221 = tpu.vector_load %arg13[%get3A_219, %get3A_220] {strides = array<i32>} : memref<80x128xf32, #tpu.memory_space<vmem>>, vector<16xf32>,
        %add3A_222 = arith.addf %get3A_218, %get3A_221 : vector<16xf32>
        %max3A = arith.constant 0.000000e+00 : f32
        %max3A_223 = vector.broadcast %max3A : f32 to vector<16xf32>
        %max3A_224 = arith.maximumf %add3A_222, %max3A_223 : vector<16xf32>
        %min3A = arith.constant 0.000000e+00 : f32
        %min3A_225 = vector.broadcast %min3A : f32 to vector<16xf32>
        %min3A_226 = arith.minimumf %add3A_222, %min3A_225 : vector<16xf32>
        %mul3A_227 = arith.constant 2.000000e-01 : f32
        %mul3A_228 = vector.broadcast %mul3A_227 : f32 to vector<16xf32>
        %mul3A_229 = arith.mulf %mul3A_228, %min3A_226 : vector<16xf32>
        %add3A_230 = arith.addf %max3A_224, %mul3A_229 : vector<16xf32>
        %get3A_231 = arith.constant 0 : index
        %get3A_232 = tpu.vector_load %arg15[%get3A_231] {strides = array<i32>} : memref<128xf32, #tpu.memory_space<vmem>>, vector<16xf32>,
        %mul3A_233 = arith.mulf %add3A_230, %get3A_232 : vector<16xf32>
        %add3A_234 = arith.addf %broadcast_in_dim3A_0, %mul3A_233 : vector<16xf32>
        %get3A_235 = arith.index_cast %scan3A_215 : i32 to index
        %get3A_236 = arith.constant 16 : index
        %get3A_237 = tpu.vector_load %arg12[%get3A_235, %get3A_236] {strides = array<i32>} : memref<80x128xf32, #tpu.memory_space<vmem>>, vector<16xf32>,
        %get3A_238 = arith.index_cast %scan3A_215 : i32 to index
        %get3A_239 = arith.constant 16 : index
        %get3A_240 = tpu.vector_load %arg13[%get3A_238, %get3A_239] {strides = array<i32>} : memref<80x128xf32, #tpu.memory_space<vmem>>, vector<16xf32>,
        %add3A_241 = arith.addf %get3A_237, %get3A_240 : vector<16xf32>
        %max3A_242 = arith.constant 0.000000e+00 : f32
        %max3A_243 = vector.broadcast %max3A_242 : f32 to vector<16xf32>
        %max3A_244 = arith.maximumf %add3A_241, %max3A_243 : vector<16xf32>
        %min3A_245 = arith.constant 0.000000e+00 : f32
        %min3A_246 = vector.broadcast %min3A_245 : f32 to vector<16xf32>
        %min3A_247 = arith.minimumf %add3A_241, %min3A_246 : vector<16xf32>
        %mul3A_248 = arith.constant 2.000000e-01 : f32
        %mul3A_249 = vector.broadcast %mul3A_248 : f32 to vector<16xf32>
        %mul3A_250 = arith.mulf %mul3A_249, %min3A_247 : vector<16xf32>
        %add3A_251 = arith.addf %max3A_244, %mul3A_250 : vector<16xf32>
        %get3A_252 = arith.constant 16 : index
        %get3A_253 = tpu.vector_load %arg15[%get3A_252] {strides = array<i32>} : memref<128xf32, #tpu.memory_space<vmem>>, vector<16xf32>,
        %mul3A_254 = arith.mulf %add3A_251, %get3A_253 : vector<16xf32>
        %add3A_255 = arith.addf %add3A_234, %mul3A_254 : vector<16xf32>
        %get3A_256 = arith.index_cast %scan3A_215 : i32 to index
        %get3A_257 = arith.constant 32 : index
        %get3A_258 = tpu.vector_load %arg12[%get3A_256, %get3A_257] {strides = array<i32>} : memref<80x128xf32, #tpu.memory_space<vmem>>, vector<16xf32>,
        %get3A_259 = arith.index_cast %scan3A_215 : i32 to index
        %get3A_260 = arith.constant 32 : index
        %get3A_261 = tpu.vector_load %arg13[%get3A_259, %get3A_260] {strides = array<i32>} : memref<80x128xf32, #tpu.memory_space<vmem>>, vector<16xf32>,
        %add3A_262 = arith.addf %get3A_258, %get3A_261 : vector<16xf32>
        %max3A_263 = arith.constant 0.000000e+00 : f32
        %max3A_264 = vector.broadcast %max3A_263 : f32 to vector<16xf32>
        %max3A_265 = arith.maximumf %add3A_262, %max3A_264 : vector<16xf32>
        %min3A_266 = arith.constant 0.000000e+00 : f32
        %min3A_267 = vector.broadcast %min3A_266 : f32 to vector<16xf32>
        %min3A_268 = arith.minimumf %add3A_262, %min3A_267 : vector<16xf32>
        %mul3A_269 = arith.constant 2.000000e-01 : f32
        %mul3A_270 = vector.broadcast %mul3A_269 : f32 to vector<16xf32>
        %mul3A_271 = arith.mulf %mul3A_270, %min3A_268 : vector<16xf32>
        %add3A_272 = arith.addf %max3A_265, %mul3A_271 : vector<16xf32>
        %get3A_273 = arith.constant 32 : index
        %get3A_274 = tpu.vector_load %arg15[%get3A_273] {strides = array<i32>} : memref<128xf32, #tpu.memory_space<vmem>>, vector<16xf32>,
        %mul3A_275 = arith.mulf %add3A_272, %get3A_274 : vector<16xf32>
        %add3A_276 = arith.addf %add3A_255, %mul3A_275 : vector<16xf32>
        %get3A_277 = arith.index_cast %scan3A_215 : i32 to index
        %get3A_278 = arith.constant 48 : index
        %get3A_279 = tpu.vector_load %arg12[%get3A_277, %get3A_278] {strides = array<i32>} : memref<80x128xf32, #tpu.memory_space<vmem>>, vector<16xf32>,
        %get3A_280 = arith.index_cast %scan3A_215 : i32 to index
        %get3A_281 = arith.constant 48 : index
        %get3A_282 = tpu.vector_load %arg13[%get3A_280, %get3A_281] {strides = array<i32>} : memref<80x128xf32, #tpu.memory_space<vmem>>, vector<16xf32>,
        %add3A_283 = arith.addf %get3A_279, %get3A_282 : vector<16xf32>
        %max3A_284 = arith.constant 0.000000e+00 : f32
        %max3A_285 = vector.broadcast %max3A_284 : f32 to vector<16xf32>
        %max3A_286 = arith.maximumf %add3A_283, %max3A_285 : vector<16xf32>
        %min3A_287 = arith.constant 0.000000e+00 : f32
        %min3A_288 = vector.broadcast %min3A_287 : f32 to vector<16xf32>
        %min3A_289 = arith.minimumf %add3A_283, %min3A_288 : vector<16xf32>
        %mul3A_290 = arith.constant 2.000000e-01 : f32
        %mul3A_291 = vector.broadcast %mul3A_290 : f32 to vector<16xf32>
        %mul3A_292 = arith.mulf %mul3A_291, %min3A_289 : vector<16xf32>
        %add3A_293 = arith.addf %max3A_286, %mul3A_292 : vector<16xf32>
        %get3A_294 = arith.constant 48 : index
        %get3A_295 = tpu.vector_load %arg15[%get3A_294] {strides = array<i32>} : memref<128xf32, #tpu.memory_space<vmem>>, vector<16xf32>,
        %mul3A_296 = arith.mulf %add3A_293, %get3A_295 : vector<16xf32>
        %add3A_297 = arith.addf %add3A_276, %mul3A_296 : vector<16xf32>
        %get3A_298 = arith.index_cast %scan3A_215 : i32 to index
        %get3A_299 = arith.constant 64 : index
        %get3A_300 = tpu.vector_load %arg12[%get3A_298, %get3A_299] {strides = array<i32>} : memref<80x128xf32, #tpu.memory_space<vmem>>, vector<16xf32>,
        %get3A_301 = arith.index_cast %scan3A_215 : i32 to index
        %get3A_302 = arith.constant 64 : index
        %get3A_303 = tpu.vector_load %arg13[%get3A_301, %get3A_302] {strides = array<i32>} : memref<80x128xf32, #tpu.memory_space<vmem>>, vector<16xf32>,
        %add3A_304 = arith.addf %get3A_300, %get3A_303 : vector<16xf32>
        %max3A_305 = arith.constant 0.000000e+00 : f32
        %max3A_306 = vector.broadcast %max3A_305 : f32 to vector<16xf32>
        %max3A_307 = arith.maximumf %add3A_304, %max3A_306 : vector<16xf32>
        %min3A_308 = arith.constant 0.000000e+00 : f32
        %min3A_309 = vector.broadcast %min3A_308 : f32 to vector<16xf32>
        %min3A_310 = arith.minimumf %add3A_304, %min3A_309 : vector<16xf32>
        %mul3A_311 = arith.constant 2.000000e-01 : f32
        %mul3A_312 = vector.broadcast %mul3A_311 : f32 to vector<16xf32>
        %mul3A_313 = arith.mulf %mul3A_312, %min3A_310 : vector<16xf32>
        %add3A_314 = arith.addf %max3A_307, %mul3A_313 : vector<16xf32>
        %get3A_315 = arith.constant 64 : index
        %get3A_316 = tpu.vector_load %arg15[%get3A_315] {strides = array<i32>} : memref<128xf32, #tpu.memory_space<vmem>>, vector<16xf32>,
        %mul3A_317 = arith.mulf %add3A_314, %get3A_316 : vector<16xf32>
        %add3A_318 = arith.addf %add3A_297, %mul3A_317 : vector<16xf32>
        %get3A_319 = arith.index_cast %scan3A_215 : i32 to index
        %get3A_320 = arith.constant 80 : index
        %get3A_321 = tpu.vector_load %arg12[%get3A_319, %get3A_320] {strides = array<i32>} : memref<80x128xf32, #tpu.memory_space<vmem>>, vector<16xf32>,
        %get3A_322 = arith.index_cast %scan3A_215 : i32 to index
        %get3A_323 = arith.constant 80 : index
        %get3A_324 = tpu.vector_load %arg13[%get3A_322, %get3A_323] {strides = array<i32>} : memref<80x128xf32, #tpu.memory_space<vmem>>, vector<16xf32>,
        %add3A_325 = arith.addf %get3A_321, %get3A_324 : vector<16xf32>
        %max3A_326 = arith.constant 0.000000e+00 : f32
        %max3A_327 = vector.broadcast %max3A_326 : f32 to vector<16xf32>
        %max3A_328 = arith.maximumf %add3A_325, %max3A_327 : vector<16xf32>
        %min3A_329 = arith.constant 0.000000e+00 : f32
        %min3A_330 = vector.broadcast %min3A_329 : f32 to vector<16xf32>
        %min3A_331 = arith.minimumf %add3A_325, %min3A_330 : vector<16xf32>
        %mul3A_332 = arith.constant 2.000000e-01 : f32
        %mul3A_333 = vector.broadcast %mul3A_332 : f32 to vector<16xf32>
        %mul3A_334 = arith.mulf %mul3A_333, %min3A_331 : vector<16xf32>
        %add3A_335 = arith.addf %max3A_328, %mul3A_334 : vector<16xf32>
        %get3A_336 = arith.constant 80 : index
        %get3A_337 = tpu.vector_load %arg15[%get3A_336] {strides = array<i32>} : memref<128xf32, #tpu.memory_space<vmem>>, vector<16xf32>,
        %mul3A_338 = arith.mulf %add3A_335, %get3A_337 : vector<16xf32>
        %add3A_339 = arith.addf %add3A_318, %mul3A_338 : vector<16xf32>
        %get3A_340 = arith.index_cast %scan3A_215 : i32 to index
        %get3A_341 = arith.constant 96 : index
        %get3A_342 = tpu.vector_load %arg12[%get3A_340, %get3A_341] {strides = array<i32>} : memref<80x128xf32, #tpu.memory_space<vmem>>, vector<16xf32>,
        %get3A_343 = arith.index_cast %scan3A_215 : i32 to index
        %get3A_344 = arith.constant 96 : index
        %get3A_345 = tpu.vector_load %arg13[%get3A_343, %get3A_344] {strides = array<i32>} : memref<80x128xf32, #tpu.memory_space<vmem>>, vector<16xf32>,
        %add3A_346 = arith.addf %get3A_342, %get3A_345 : vector<16xf32>
        %max3A_347 = arith.constant 0.000000e+00 : f32
        %max3A_348 = vector.broadcast %max3A_347 : f32 to vector<16xf32>
        %max3A_349 = arith.maximumf %add3A_346, %max3A_348 : vector<16xf32>
        %min3A_350 = arith.constant 0.000000e+00 : f32
        %min3A_351 = vector.broadcast %min3A_350 : f32 to vector<16xf32>
        %min3A_352 = arith.minimumf %add3A_346, %min3A_351 : vector<16xf32>
        %mul3A_353 = arith.constant 2.000000e-01 : f32
        %mul3A_354 = vector.broadcast %mul3A_353 : f32 to vector<16xf32>
        %mul3A_355 = arith.mulf %mul3A_354, %min3A_352 : vector<16xf32>
        %add3A_356 = arith.addf %max3A_349, %mul3A_355 : vector<16xf32>
        %get3A_357 = arith.constant 96 : index
        %get3A_358 = tpu.vector_load %arg15[%get3A_357] {strides = array<i32>} : memref<128xf32, #tpu.memory_space<vmem>>, vector<16xf32>,
        %mul3A_359 = arith.mulf %add3A_356, %get3A_358 : vector<16xf32>
        %add3A_360 = arith.addf %add3A_339, %mul3A_359 : vector<16xf32>
        %get3A_361 = arith.index_cast %scan3A_215 : i32 to index
        %get3A_362 = arith.constant 112 : index
        %get3A_363 = tpu.vector_load %arg12[%get3A_361, %get3A_362] {strides = array<i32>} : memref<80x128xf32, #tpu.memory_space<vmem>>, vector<16xf32>,
        %get3A_364 = arith.index_cast %scan3A_215 : i32 to index
        %get3A_365 = arith.constant 112 : index
        %get3A_366 = tpu.vector_load %arg13[%get3A_364, %get3A_365] {strides = array<i32>} : memref<80x128xf32, #tpu.memory_space<vmem>>, vector<16xf32>,
        %add3A_367 = arith.addf %get3A_363, %get3A_366 : vector<16xf32>
        %max3A_368 = arith.constant 0.000000e+00 : f32
        %max3A_369 = vector.broadcast %max3A_368 : f32 to vector<16xf32>
        %max3A_370 = arith.maximumf %add3A_367, %max3A_369 : vector<16xf32>
        %min3A_371 = arith.constant 0.000000e+00 : f32
        %min3A_372 = vector.broadcast %min3A_371 : f32 to vector<16xf32>
        %min3A_373 = arith.minimumf %add3A_367, %min3A_372 : vector<16xf32>
        %mul3A_374 = arith.constant 2.000000e-01 : f32
        %mul3A_375 = vector.broadcast %mul3A_374 : f32 to vector<16xf32>
        %mul3A_376 = arith.mulf %mul3A_375, %min3A_373 : vector<16xf32>
        %add3A_377 = arith.addf %max3A_370, %mul3A_376 : vector<16xf32>
        %get3A_378 = arith.constant 112 : index
        %get3A_379 = tpu.vector_load %arg15[%get3A_378] {strides = array<i32>} : memref<128xf32, #tpu.memory_space<vmem>>, vector<16xf32>,
        %mul3A_380 = arith.mulf %add3A_377, %get3A_379 : vector<16xf32>
        %add3A_381 = arith.addf %add3A_360, %mul3A_380 : vector<16xf32>
        %reduce_sum3A = arith.constant true
        %reduce_sum3A_382 = vector.broadcast %reduce_sum3A : i1 to vector<16xi1>
        %reduce_sum3A_383 = tpu.scan <sum>, %add3A_381 masked %reduce_sum3A_382 : vector<16xf32>, vector<16xi1> -> vector<16xf32>
        %reduce_sum3A_384 = vector.extract %reduce_sum3A_383[15] : f32 from vector<16xf32>
        %broadcast_in_dim3A_385 = vector.broadcast %reduce_sum3A_384 : f32 to vector<16xf32>
        %exp3A = math.exp %broadcast_in_dim3A_385 : vector<16xf32>
        %get3A_386 = arith.index_cast %scan3A_215 : i32 to index
        %get3A_387 = arith.constant 0 : index
        %get3A_388 = tpu.vector_load %arg12[%get3A_386, %get3A_387] {strides = array<i32>} : memref<80x128xf32, #tpu.memory_space<vmem>>, vector<16xf32>,
        %mul3A_389 = arith.mulf %get3A_388, %exp3A : vector<16xf32>
        %swap3A_390 = arith.index_cast %scan3A_215 : i32 to index
        %swap3A_391 = arith.constant 0 : index
        %swap3A_392 = tpu.vector_load %arg14[%swap3A_390, %swap3A_391] {strides = array<i32>} : memref<80x144xf32, #tpu.memory_space<vmem>>, vector<16xf32>,
        tpu.vector_store %arg14[%swap3A_390, %swap3A_391], %mul3A_389 {strides = array<i32>} : memref<80x144xf32, #tpu.memory_space<vmem>>, vector<16xf32>,
        %get3A_393 = arith.index_cast %scan3A_215 : i32 to index
        %get3A_394 = arith.constant 16 : index
        %get3A_395 = tpu.vector_load %arg12[%get3A_393, %get3A_394] {strides = array<i32>} : memref<80x128xf32, #tpu.memory_space<vmem>>, vector<16xf32>,
        %mul3A_396 = arith.mulf %get3A_395, %exp3A : vector<16xf32>
        %swap3A_397 = arith.index_cast %scan3A_215 : i32 to index
        %swap3A_398 = arith.constant 16 : index
        %swap3A_399 = tpu.vector_load %arg14[%swap3A_397, %swap3A_398] {strides = array<i32>} : memref<80x144xf32, #tpu.memory_space<vmem>>, vector<16xf32>,
        tpu.vector_store %arg14[%swap3A_397, %swap3A_398], %mul3A_396 {strides = array<i32>} : memref<80x144xf32, #tpu.memory_space<vmem>>, vector<16xf32>,
        %get3A_400 = arith.index_cast %scan3A_215 : i32 to index
        %get3A_401 = arith.constant 32 : index
        %get3A_402 = tpu.vector_load %arg12[%get3A_400, %get3A_401] {strides = array<i32>} : memref<80x128xf32, #tpu.memory_space<vmem>>, vector<16xf32>,
        %mul3A_403 = arith.mulf %get3A_402, %exp3A : vector<16xf32>
        %swap3A_404 = arith.index_cast %scan3A_215 : i32 to index
        %swap3A_405 = arith.constant 32 : index
        %swap3A_406 = tpu.vector_load %arg14[%swap3A_404, %swap3A_405] {strides = array<i32>} : memref<80x144xf32, #tpu.memory_space<vmem>>, vector<16xf32>,
        tpu.vector_store %arg14[%swap3A_404, %swap3A_405], %mul3A_403 {strides = array<i32>} : memref<80x144xf32, #tpu.memory_space<vmem>>, vector<16xf32>,
        %get3A_407 = arith.index_cast %scan3A_215 : i32 to index
        %get3A_408 = arith.constant 48 : index
        %get3A_409 = tpu.vector_load %arg12[%get3A_407, %get3A_408] {strides = array<i32>} : memref<80x128xf32, #tpu.memory_space<vmem>>, vector<16xf32>,
        %mul3A_410 = arith.mulf %get3A_409, %exp3A : vector<16xf32>
        %swap3A_411 = arith.index_cast %scan3A_215 : i32 to index
        %swap3A_412 = arith.constant 48 : index
        %swap3A_413 = tpu.vector_load %arg14[%swap3A_411, %swap3A_412] {strides = array<i32>} : memref<80x144xf32, #tpu.memory_space<vmem>>, vector<16xf32>,
        tpu.vector_store %arg14[%swap3A_411, %swap3A_412], %mul3A_410 {strides = array<i32>} : memref<80x144xf32, #tpu.memory_space<vmem>>, vector<16xf32>,
        %get3A_414 = arith.index_cast %scan3A_215 : i32 to index
        %get3A_415 = arith.constant 64 : index
        %get3A_416 = tpu.vector_load %arg12[%get3A_414, %get3A_415] {strides = array<i32>} : memref<80x128xf32, #tpu.memory_space<vmem>>, vector<16xf32>,
        %mul3A_417 = arith.mulf %get3A_416, %exp3A : vector<16xf32>
        %swap3A_418 = arith.index_cast %scan3A_215 : i32 to index
        %swap3A_419 = arith.constant 64 : index
        %swap3A_420 = tpu.vector_load %arg14[%swap3A_418, %swap3A_419] {strides = array<i32>} : memref<80x144xf32, #tpu.memory_space<vmem>>, vector<16xf32>,
        tpu.vector_store %arg14[%swap3A_418, %swap3A_419], %mul3A_417 {strides = array<i32>} : memref<80x144xf32, #tpu.memory_space<vmem>>, vector<16xf32>,
        %get3A_421 = arith.index_cast %scan3A_215 : i32 to index
        %get3A_422 = arith.constant 80 : index
        %get3A_423 = tpu.vector_load %arg12[%get3A_421, %get3A_422] {strides = array<i32>} : memref<80x128xf32, #tpu.memory_space<vmem>>, vector<16xf32>,
        %mul3A_424 = arith.mulf %get3A_423, %exp3A : vector<16xf32>
        %swap3A_425 = arith.index_cast %scan3A_215 : i32 to index
        %swap3A_426 = arith.constant 80 : index
        %swap3A_427 = tpu.vector_load %arg14[%swap3A_425, %swap3A_426] {strides = array<i32>} : memref<80x144xf32, #tpu.memory_space<vmem>>, vector<16xf32>,
        tpu.vector_store %arg14[%swap3A_425, %swap3A_426], %mul3A_424 {strides = array<i32>} : memref<80x144xf32, #tpu.memory_space<vmem>>, vector<16xf32>,
        %get3A_428 = arith.index_cast %scan3A_215 : i32 to index
        %get3A_429 = arith.constant 96 : index
        %get3A_430 = tpu.vector_load %arg12[%get3A_428, %get3A_429] {strides = array<i32>} : memref<80x128xf32, #tpu.memory_space<vmem>>, vector<16xf32>,
        %mul3A_431 = arith.mulf %get3A_430, %exp3A : vector<16xf32>
        %swap3A_432 = arith.index_cast %scan3A_215 : i32 to index
        %swap3A_433 = arith.constant 96 : index
        %swap3A_434 = tpu.vector_load %arg14[%swap3A_432, %swap3A_433] {strides = array<i32>} : memref<80x144xf32, #tpu.memory_space<vmem>>, vector<16xf32>,
        tpu.vector_store %arg14[%swap3A_432, %swap3A_433], %mul3A_431 {strides = array<i32>} : memref<80x144xf32, #tpu.memory_space<vmem>>, vector<16xf32>,
        %get3A_435 = arith.index_cast %scan3A_215 : i32 to index
        %get3A_436 = arith.constant 112 : index
        %get3A_437 = tpu.vector_load %arg12[%get3A_435, %get3A_436] {strides = array<i32>} : memref<80x128xf32, #tpu.memory_space<vmem>>, vector<16xf32>,
        %mul3A_438 = arith.mulf %get3A_437, %exp3A : vector<16xf32>
        %swap3A_439 = arith.index_cast %scan3A_215 : i32 to index
        %swap3A_440 = arith.constant 112 : index
        %swap3A_441 = tpu.vector_load %arg14[%swap3A_439, %swap3A_440] {strides = array<i32>} : memref<80x144xf32, #tpu.memory_space<vmem>>, vector<16xf32>,
        tpu.vector_store %arg14[%swap3A_439, %swap3A_440], %mul3A_438 {strides = array<i32>} : memref<80x144xf32, #tpu.memory_space<vmem>>, vector<16xf32>,
        %swap3A_442 = arith.index_cast %scan3A_215 : i32 to index
        %swap3A_443 = arith.constant 128 : index
        %swap3A_444 = tpu.vector_load %arg14[%swap3A_442, %swap3A_443] {strides = array<i32>} : memref<80x144xf32, #tpu.memory_space<vmem>>, vector<16xf32>,
        tpu.vector_store %arg14[%swap3A_442, %swap3A_443], %exp3A {strides = array<i32>} : memref<80x144xf32, #tpu.memory_space<vmem>>, vector<16xf32>,
      }
      %scan3A_214 = arith.constant 80 : i32
      "tpu.region"() ({
        %run_scoped3A = tpu.sem_alloc : memref<!tpu.dma_semaphore, #tpu.memory_space<semaphore_mem>>
        %dma_start3A_215 = arith.constant 0 : i32
        %dma_start3A_216 = arith.constant 0 : i32
        %dma_start3A_217 = tpu.memref_slice %arg16[%dma_start3A_215, %dma_start3A_216] : memref<10000x144xf32, #tpu.memory_space<vmem_shared>> -> memref<10000x144xf32, #tpu.memory_space<vmem_shared>>
        tpu.enqueue_indirect_dma source(%arg14 : memref<80x144xf32, #tpu.memory_space<vmem>>) target(%dma_start3A_217 : memref<10000x144xf32, #tpu.memory_space<vmem_shared>>) offsets(%arg9 : memref<80xi32, #tpu.memory_space<vmem>>) semaphore(%run_scoped3A : memref<!tpu.dma_semaphore, #tpu.memory_space<semaphore_mem>>) {add = true}
        %dma_wait3A_218 = arith.constant 0 : i32
        %dma_wait3A_219 = arith.constant 0 : i32
        %dma_wait3A_220 = tpu.memref_slice %arg16[%dma_wait3A_218, %dma_wait3A_219] : memref<10000x144xf32, #tpu.memory_space<vmem_shared>> -> memref<10000x144xf32, #tpu.memory_space<vmem_shared>>
        tpu.wait_indirect_dma semaphore(%run_scoped3A : memref<!tpu.dma_semaphore, #tpu.memory_space<semaphore_mem>>) src(%arg14 : memref<80x144xf32, #tpu.memory_space<vmem>>) dst(%dma_wait3A_220 : memref<10000x144xf32, #tpu.memory_space<vmem_shared>>)
        tpu.yield
      }) : () -> ()
    }
    %scan3A_107 = arith.constant 125 : i32
    %barrier3A_108 = arith.constant 0 : index
    tpu.barrier barrier_id(%barrier3A_108)
    %mul3A_109 = arith.constant 625 : i32
    %mul3A_110 = arith.muli %arg1, %mul3A_109 : i32
    %mul3A_111 = arith.constant 10000 : i32
    %mul3A_112 = arith.muli %add3A_58, %mul3A_111 : i32
    %mul3A_113 = arith.constant 625 : i32
    %mul3A_114 = arith.muli %arg1, %mul3A_113 : i32
    %add3A_115 = arith.addi %mul3A_112, %mul3A_114 : i32
    "tpu.region"() ({
      %run_scoped3A = tpu.sem_alloc : memref<!tpu.dma_semaphore, #tpu.memory_space<semaphore_mem>>
      %dma_start3A = arith.constant 0 : i32
      %dma_start3A_117 = tpu.memref_slice %arg7[%add3A_115, %dma_start3A] : memref<40000x144xf32, #tpu.memory_space<hbm>> -> memref<625x144xf32, #tpu.memory_space<hbm>>
      %dma_start3A_118 = arith.constant 0 : i32
      %dma_start3A_119 = tpu.memref_slice %arg16[%mul3A_110, %dma_start3A_118] : memref<10000x144xf32, #tpu.memory_space<vmem_shared>> -> memref<625x144xf32, #tpu.memory_space<vmem_shared>>
      tpu.enqueue_dma source(%dma_start3A_119 : memref<625x144xf32, #tpu.memory_space<vmem_shared>>) target(%dma_start3A_117 : memref<625x144xf32, #tpu.memory_space<hbm>>) target_semaphore(%run_scoped3A : memref<!tpu.dma_semaphore, #tpu.memory_space<semaphore_mem>>)
      %dma_wait3A = arith.constant 0 : i32
      %dma_wait3A_120 = tpu.memref_slice %arg7[%add3A_115, %dma_wait3A] : memref<40000x144xf32, #tpu.memory_space<hbm>> -> memref<625x144xf32, #tpu.memory_space<hbm>>
      %dma_wait3A_121 = arith.constant 0 : i32
      %dma_wait3A_122 = tpu.memref_slice %arg16[%mul3A_110, %dma_wait3A_121] : memref<10000x144xf32, #tpu.memory_space<vmem_shared>> -> memref<625x144xf32, #tpu.memory_space<vmem_shared>>
      tpu.wait_dma2 semaphore(%run_scoped3A : memref<!tpu.dma_semaphore, #tpu.memory_space<semaphore_mem>>) src(%dma_wait3A_122 : memref<625x144xf32, #tpu.memory_space<vmem_shared>>) dst(%dma_wait3A_120 : memref<625x144xf32, #tpu.memory_space<hbm>>)
      tpu.yield
    }) : () -> ()
    %barrier3A_116 = arith.constant 0 : index
    tpu.barrier barrier_id(%barrier3A_116)
    return
  }
}

module attributes {stable_mosaic.version = 14 : i64} {
  func.func @_proj_body(%arg0: i32, %arg1: i32, %arg2: memref<1000x128xf32, #tpu.memory_space<vmem>>, %arg3: memref<128x128xf32, #tpu.memory_space<vmem>>, %arg4: memref<128x128xf32, #tpu.memory_space<vmem>>, %arg5: memref<1x1x128xf32, #tpu.memory_space<vmem>>, %arg6: memref<1x1x128xf32, #tpu.memory_space<vmem>>, %arg7: memref<1000x128xf32, #tpu.memory_space<vmem>>, %arg8: memref<1000x128xf32, #tpu.memory_space<vmem>>) attributes {dimension_semantics = [#tpu.dimension_semantics<arbitrary>, #tpu.dimension_semantics<arbitrary>], iteration_bounds = array<i64: 10, 4>, scalar_prefetch = 0 : i64, scratch_operands = 0 : i64, tpu.core_type = #tpu.core_type<tc>, window_params = [{transform_indices = @transform_0, window_bounds = array<i64: 1000, 128>}, {transform_indices = @transform_1, window_bounds = array<i64: 128, 128>}, {transform_indices = @transform_2, window_bounds = array<i64: 128, 128>}, {transform_indices = @transform_3, window_bounds = array<i64: 1, 1, 128>}, {transform_indices = @transform_4, window_bounds = array<i64: 1, 1, 128>}, {transform_indices = @transform_5, window_bounds = array<i64: 1000, 128>}, {transform_indices = @transform_6, window_bounds = array<i64: 1000, 128>}]} {
    %get3A = arith.constant 0 : index
    %get3A_0 = arith.constant 0 : index
    %get3A_1 = vector.load %arg2[%get3A, %get3A_0] : memref<1000x128xf32, #tpu.memory_space<vmem>>, vector<1000x128xf32>
    %get3A_2 = arith.constant 0 : index
    %get3A_3 = arith.constant 0 : index
    %get3A_4 = vector.load %arg3[%get3A_2, %get3A_3] : memref<128x128xf32, #tpu.memory_space<vmem>>, vector<128x128xf32>
    %dot_general3A = arith.constant dense<0.000000e+00> : vector<1000x128xf32>
    %dot_general3A_5 = tpu.matmul %get3A_1, %get3A_4, %dot_general3A {dimension_numbers = #tpu.dot_dimension_numbers<[1], [0], [0], [1], [0, 0, 1, 1], [], []>, transpose_lhs_hint = false} : vector<1000x128xf32>, vector<128x128xf32>, vector<1000x128xf32> -> vector<1000x128xf32>
    %get3A_6 = arith.constant 0 : index
    %get3A_7 = arith.constant 0 : index
    %get3A_8 = arith.constant 0 : index
    %get3A_9 = vector.load %arg5[%get3A_6, %get3A_7, %get3A_8] : memref<1x1x128xf32, #tpu.memory_space<vmem>>, vector<1x1x128xf32>
    %get3A_10 = vector.shape_cast %get3A_9 : vector<1x1x128xf32> to vector<1x128xf32>
    %add3A = vector.broadcast %get3A_10 : vector<1x128xf32> to vector<1000x128xf32>
    %add3A_11 = arith.addf %dot_general3A_5, %add3A : vector<1000x128xf32>
    %swap3A = arith.constant 0 : index
    %swap3A_12 = arith.constant 0 : index
    %swap3A_13 = vector.load %arg7[%swap3A, %swap3A_12] : memref<1000x128xf32, #tpu.memory_space<vmem>>, vector<1000x128xf32>
    tpu.vector_store %arg7[%swap3A, %swap3A_12], %add3A_11 {strides = array<i32>} : memref<1000x128xf32, #tpu.memory_space<vmem>>, vector<1000x128xf32>,
    %get3A_14 = arith.constant 0 : index
    %get3A_15 = arith.constant 0 : index
    %get3A_16 = vector.load %arg4[%get3A_14, %get3A_15] : memref<128x128xf32, #tpu.memory_space<vmem>>, vector<128x128xf32>
    %dot_general3A_17 = arith.constant dense<0.000000e+00> : vector<1000x128xf32>
    %dot_general3A_18 = tpu.matmul %get3A_1, %get3A_16, %dot_general3A_17 {dimension_numbers = #tpu.dot_dimension_numbers<[1], [0], [0], [1], [0, 0, 1, 1], [], []>, transpose_lhs_hint = false} : vector<1000x128xf32>, vector<128x128xf32>, vector<1000x128xf32> -> vector<1000x128xf32>
    %get3A_19 = arith.constant 0 : index
    %get3A_20 = arith.constant 0 : index
    %get3A_21 = arith.constant 0 : index
    %get3A_22 = vector.load %arg6[%get3A_19, %get3A_20, %get3A_21] : memref<1x1x128xf32, #tpu.memory_space<vmem>>, vector<1x1x128xf32>
    %get3A_23 = vector.shape_cast %get3A_22 : vector<1x1x128xf32> to vector<1x128xf32>
    %add3A_24 = vector.broadcast %get3A_23 : vector<1x128xf32> to vector<1000x128xf32>
    %add3A_25 = arith.addf %dot_general3A_18, %add3A_24 : vector<1000x128xf32>
    %swap3A_26 = arith.constant 0 : index
    %swap3A_27 = arith.constant 0 : index
    %swap3A_28 = vector.load %arg8[%swap3A_26, %swap3A_27] : memref<1000x128xf32, #tpu.memory_space<vmem>>, vector<1000x128xf32>
    tpu.vector_store %arg8[%swap3A_26, %swap3A_27], %add3A_25 {strides = array<i32>} : memref<1000x128xf32, #tpu.memory_space<vmem>>, vector<1000x128xf32>,
    return
  }
  func.func @transform_0(%arg0: i32, %arg1: i32) -> (i32, i32) {
    %c0_i32 = arith.constant 0 : i32
    %c0_i32_0 = arith.constant 0 : i32
    return %arg0, %c0_i32 : i32, i32
  }
  func.func @transform_1(%arg0: i32, %arg1: i32) -> (i32, i32) {
    %c0_i32 = arith.constant 0 : i32
    %c0_i32_0 = arith.constant 0 : i32
    return %c0_i32, %arg1 : i32, i32
  }
  func.func @transform_2(%arg0: i32, %arg1: i32) -> (i32, i32) {
    %c0_i32 = arith.constant 0 : i32
    %c0_i32_0 = arith.constant 0 : i32
    return %c0_i32, %arg1 : i32, i32
  }
  func.func @transform_3(%arg0: i32, %arg1: i32) -> (i32, i32, i32) {
    %c0_i32 = arith.constant 0 : i32
    %c0_i32_0 = arith.constant 0 : i32
    %c0_i32_1 = arith.constant 0 : i32
    return %arg1, %c0_i32, %c0_i32_0 : i32, i32, i32
  }
  func.func @transform_4(%arg0: i32, %arg1: i32) -> (i32, i32, i32) {
    %c0_i32 = arith.constant 0 : i32
    %c0_i32_0 = arith.constant 0 : i32
    %c0_i32_1 = arith.constant 0 : i32
    return %arg1, %c0_i32, %c0_i32_0 : i32, i32, i32
  }
  func.func @transform_5(%arg0: i32, %arg1: i32) -> (i32, i32) {
    %mul3A = arith.constant 10 : i32
    %mul3A_0 = arith.muli %arg1, %mul3A : i32
    %add3A = arith.addi %mul3A_0, %arg0 : i32
    %c0_i32 = arith.constant 0 : i32
    %c0_i32_1 = arith.constant 0 : i32
    return %add3A, %c0_i32 : i32, i32
  }
  func.func @transform_6(%arg0: i32, %arg1: i32) -> (i32, i32) {
    %mul3A = arith.constant 10 : i32
    %mul3A_0 = arith.muli %arg1, %mul3A : i32
    %add3A = arith.addi %mul3A_0, %arg0 : i32
    %c0_i32 = arith.constant 0 : i32
    %c0_i32_1 = arith.constant 0 : i32
    return %add3A, %c0_i32 : i32, i32
  }
}

module attributes {stable_mosaic.version = 14 : i64} {
  func.func @_final_body(%arg0: i32, %arg1: i32, %arg2: memref<1000x144xf32, #tpu.memory_space<vmem>>, %arg3: memref<1x1x128xf32, #tpu.memory_space<vmem>>, %arg4: memref<1x128x128xf32, #tpu.memory_space<vmem>>, %arg5: memref<1x128xf32, #tpu.memory_space<vmem>>, %arg6: memref<1000x128xf32, #tpu.memory_space<vmem>>) attributes {dimension_semantics = [#tpu.dimension_semantics<arbitrary>, #tpu.dimension_semantics<arbitrary>], iteration_bounds = array<i64: 10, 4>, scalar_prefetch = 0 : i64, scratch_operands = 0 : i64, tpu.core_type = #tpu.core_type<tc>, window_params = [{transform_indices = @transform_0, window_bounds = array<i64: 1000, 144>}, {transform_indices = @transform_1, window_bounds = array<i64: 1, 1, 128>}, {transform_indices = @transform_2, window_bounds = array<i64: 1, 128, 128>}, {pipeline_mode = #tpu.pipeline_mode<synchronous>, transform_indices = @transform_3, window_bounds = array<i64: 1, 128>}, {transform_indices = @transform_4, window_bounds = array<i64: 1000, 128>}]} {
    %get3A = arith.constant 0 : index
    %get3A_0 = arith.constant 0 : index
    %get3A_1 = vector.load %arg2[%get3A, %get3A_0] : memref<1000x144xf32, #tpu.memory_space<vmem>>, vector<1000x128xf32>
    %get3A_2 = arith.constant 0 : index
    %get3A_3 = arith.constant 128 : index
    %get3A_4 = vector.load %arg2[%get3A_2, %get3A_3] : memref<1000x144xf32, #tpu.memory_space<vmem>>, vector<1000x1xf32>
    %add3A = arith.constant 1.000000e-16 : f32
    %add3A_5 = vector.broadcast %add3A : f32 to vector<1000x1xf32>
    %add3A_6 = arith.addf %get3A_4, %add3A_5 : vector<1000x1xf32>
    %div3A = vector.broadcast %add3A_6 : vector<1000x1xf32> to vector<1000x128xf32>
    %div3A_7 = arith.divf %get3A_1, %div3A : vector<1000x128xf32>
    %get3A_8 = arith.constant 0 : index
    %get3A_9 = arith.constant 0 : index
    %get3A_10 = arith.constant 0 : index
    %get3A_11 = vector.load %arg3[%get3A_8, %get3A_9, %get3A_10] : memref<1x1x128xf32, #tpu.memory_space<vmem>>, vector<1x1x128xf32>
    %get3A_12 = vector.shape_cast %get3A_11 : vector<1x1x128xf32> to vector<1x128xf32>
    %add3A_13 = vector.broadcast %get3A_12 : vector<1x128xf32> to vector<1000x128xf32>
    %add3A_14 = arith.addf %div3A_7, %add3A_13 : vector<1000x128xf32>
    %get3A_15 = arith.constant 0 : index
    %get3A_16 = arith.constant 0 : index
    %get3A_17 = arith.constant 0 : index
    %get3A_18 = vector.load %arg4[%get3A_15, %get3A_16, %get3A_17] : memref<1x128x128xf32, #tpu.memory_space<vmem>>, vector<1x128x128xf32>
    %get3A_19 = vector.shape_cast %get3A_18 : vector<1x128x128xf32> to vector<128x128xf32>
    %dot_general3A = arith.constant dense<0.000000e+00> : vector<1000x128xf32>
    %dot_general3A_20 = tpu.matmul %add3A_14, %get3A_19, %dot_general3A {dimension_numbers = #tpu.dot_dimension_numbers<[1], [0], [0], [1], [0, 0, 1, 1], [], []>, transpose_lhs_hint = false} : vector<1000x128xf32>, vector<128x128xf32>, vector<1000x128xf32> -> vector<1000x128xf32>
    %eq3A = arith.constant 0 : i32
    %eq3A_21 = arith.cmpi eq, %arg1, %eq3A : i32
    %convert_element_type3A = arith.extui %eq3A_21 : i1 to i32
    %cond3A = arith.constant 0 : i32
    %cond3A_22 = arith.cmpi ne, %convert_element_type3A, %cond3A : i32
    scf.if %cond3A_22 {
      %get3A_27 = arith.constant 0 : index
      %get3A_28 = arith.constant 0 : index
      %get3A_29 = vector.load %arg5[%get3A_27, %get3A_28] : memref<1x128xf32, #tpu.memory_space<vmem>>, vector<1x128xf32>
      %add3A_30 = vector.broadcast %get3A_29 : vector<1x128xf32> to vector<1000x128xf32>
      %add3A_31 = arith.addf %dot_general3A_20, %add3A_30 : vector<1000x128xf32>
      %swap3A = arith.constant 0 : index
      %swap3A_32 = arith.constant 0 : index
      %swap3A_33 = vector.load %arg6[%swap3A, %swap3A_32] : memref<1000x128xf32, #tpu.memory_space<vmem>>, vector<1000x128xf32>
      tpu.vector_store %arg6[%swap3A, %swap3A_32], %add3A_31 {strides = array<i32>} : memref<1000x128xf32, #tpu.memory_space<vmem>>, vector<1000x128xf32>,
    } else {
    }
    %gt3A = arith.constant 0 : i32
    %gt3A_23 = arith.cmpi sgt, %arg1, %gt3A : i32
    %convert_element_type3A_24 = arith.extui %gt3A_23 : i1 to i32
    %cond3A_25 = arith.constant 0 : i32
    %cond3A_26 = arith.cmpi ne, %convert_element_type3A_24, %cond3A_25 : i32
    scf.if %cond3A_26 {
      %get3A_27 = arith.constant 0 : index
      %get3A_28 = arith.constant 0 : index
      %get3A_29 = vector.load %arg6[%get3A_27, %get3A_28] : memref<1000x128xf32, #tpu.memory_space<vmem>>, vector<1000x128xf32>
      %add3A_30 = arith.addf %get3A_29, %dot_general3A_20 : vector<1000x128xf32>
      %swap3A = arith.constant 0 : index
      %swap3A_31 = arith.constant 0 : index
      %swap3A_32 = vector.load %arg6[%swap3A, %swap3A_31] : memref<1000x128xf32, #tpu.memory_space<vmem>>, vector<1000x128xf32>
      tpu.vector_store %arg6[%swap3A, %swap3A_31], %add3A_30 {strides = array<i32>} : memref<1000x128xf32, #tpu.memory_space<vmem>>, vector<1000x128xf32>,
    } else {
    }
    return
  }
  func.func @transform_0(%arg0: i32, %arg1: i32) -> (i32, i32) {
    %mul3A = arith.constant 10 : i32
    %mul3A_0 = arith.muli %arg1, %mul3A : i32
    %add3A = arith.addi %mul3A_0, %arg0 : i32
    %c0_i32 = arith.constant 0 : i32
    %c0_i32_1 = arith.constant 0 : i32
    return %add3A, %c0_i32 : i32, i32
  }
  func.func @transform_1(%arg0: i32, %arg1: i32) -> (i32, i32, i32) {
    %c0_i32 = arith.constant 0 : i32
    %c0_i32_0 = arith.constant 0 : i32
    %c0_i32_1 = arith.constant 0 : i32
    return %arg1, %c0_i32, %c0_i32_0 : i32, i32, i32
  }
  func.func @transform_2(%arg0: i32, %arg1: i32) -> (i32, i32, i32) {
    %c0_i32 = arith.constant 0 : i32
    %c0_i32_0 = arith.constant 0 : i32
    %c0_i32_1 = arith.constant 0 : i32
    return %arg1, %c0_i32, %c0_i32_0 : i32, i32, i32
  }
  func.func @transform_3(%arg0: i32, %arg1: i32) -> (i32, i32) {
    %c0_i32 = arith.constant 0 : i32
    %c0_i32_0 = arith.constant 0 : i32
    %c0_i32_1 = arith.constant 0 : i32
    return %c0_i32, %c0_i32_0 : i32, i32
  }
  func.func @transform_4(%arg0: i32, %arg1: i32) -> (i32, i32) {
    %c0_i32 = arith.constant 0 : i32
    %c0_i32_0 = arith.constant 0 : i32
    return %arg0, %c0_i32 : i32, i32
  }
}

</mosaic_0001>

<sc_bundles>
// kernel: kernel.5.cloned.1.call-start
scs
__scs_entry_jumppad:
0x0: {  	(pc) =	sbr.rel $0x88, $3  }
0x1: {  	(tag) =	ssettag $0x0;
	lr =	simm.s32 $0x1  }
0x2: {  	[smem:$0x3F90] =	sst lr;
	_ =	strace $0xD0000000  }
0x3: {  	_ = 	snop  }
0x4: {  	_ = 	snop  }
0x5: {  	_ = 	snop  }
0x6: {  	_ = 	snop  }
0x7: {  	_ = 	snop  }
__scs_overlays_trampoline_lowered:
0x8: {  	[smem:$0x3F9F] =	sst s0  }
0x9: {  	[smem:$0x3FA0] =	sst s1  }
0xa: {  	[smem:$0x3FA1] =	sst s2  }
0xb: {  	[smem:$0x3FA2] =	sst s3  }
0xc: {  	[smem:$0x3FA3] =	sst s4  }
0xd: {  	[smem:$0x3FA4] =	sst s5  }
0xe: {  	[smem:$0x3FA5] =	sst s6  }
0xf: {  	[smem:$0x3FA6] =	sst s7  }
0x10: {  	[smem:$0x3FA7] =	sst s8  }
0x11: {  	[smem:$0x3FA8] =	sst s9;
	s0 =	simm.s32 @!p0 $0x0  }
0x12: {  	s1 =	sld [smem:$0x3F8E];
	s0 =	simm.s32 @p0 $0x1  }
0x13: {  	[smem:$0x3FA9] =	sst s0;
	s0 =	simm.s32 @!p1 $0x0  }
0x14: {  	s2 =	sld [smem:$0x3F8D];
	s0 =	simm.s32 @p1 $0x1  }
0x15: {  	[smem:$0x3FAA] =	sst s0;
	s0 =	simm.s32 @!p2 $0x0  }
0x16: {  	s3 =	sld [smem:$0x3FDB];
	s0 =	simm.s32 @p2 $0x1  }
0x17: {  	s4 =	simm.s32 $0x1BF5;
	[smem:$0x3FAC] =	sst s0  }
0x18: {  	s0 =	sld [smem:$0x3F8F];
	_ =	swait.ge [sflag:s4], $0x0  }
0x19: {  	s7 =	sld [smem:$0x3F90]  }
0x1a: {  	s8 =	sadd.s32 $0xFFFFE003, lr  }
0x1b: {  	s9 =	sadd.s32 $0xFFFFFEF7, lr;
	s5 =	simm.s32 $0xFFFFFFFF;
	p2 =	slt.u32 s8, $0xFFFFF086  }
0x1c: {  	p1 =	slt.u32 s9, $0xF7A;
	s5 =	simm.s32 @!p2 $0x0  }
0x1d: {  	s5 =	simm.s32 @p1 $0x1;
	p0 =	seq.s32 s7, s2  }
0x1e: {  	s7 =	smul.u32 @!p0 $0xF7A, s2;
	p2 =	seq.s32 @!p0 s5, $0x0  }
0x1f: {  	s9 =	smul.u32 $0xF7A, s1;
	s8 =	simm.s32 @!p0 $0x1BF5;
	p2 =	por !p2, p0  }
0x20: {  	[sflag:s8] =	ssyncset.s32 @!p0 $0xFFFFF086;
	s6 =	sadd.s32 @!p0 s3, s7;
	s7 =	simm.s32 @!p0 $0x108  }
0x21: {  	s3 =	sadd.s32 s3, s9;
	s6 =	sadd.s32 @!p0 $0x88, s6;
	s7 =	simm.s32 @p2 $0x1082  }
0x22: {  	[simem:s7], [sflag:s8] =	dma.local @!p0 [hbm:s6], $0xF7A  }
0x23: {  	s9 =	sor.u32 $0xD0000000, s2;
	s6 =	simm.s32 $0x108;
	_ =	swait.ge @!p0 [sflag:s8], $0x0  }
0x24: {  	s3 =	sadd.s32 $0x88, s3;
	s6 =	simm.s32 @!p1 $0x1082;
	[sflag:s4] =	ssyncset.s32 $0xFFFFF086  }
0x25: {  	[simem:s6], [sflag:s4] =	dma.local [hbm:s3], $0xF7A  }
0x26: {  	[smem:$0x3F90] =	sst s1;
	(tag) =	ssettag s2;
	_ =	strace s9  }
0x27: {  	s1 =	sld [smem:$0x3FA0]  }
0x28: {  	s2 =	sld [smem:$0x3FA1]  }
0x29: {  	s4 =	sld [smem:$0x3FA3]  }
0x2a: {  	p0 =	seq.s32 s5, $0x0;
	s5 =	sld [smem:$0x3FA4]  }
0x2b: {  	s6 =	sld [smem:$0x3FA5]  }
0x2c: {  	s7 =	sld [smem:$0x3FA6]  }
0x2d: {  	s3 =	simm.s32 $0x108;
	s8 =	sld [smem:$0x3FA7]  }
0x2e: {  	s3 =	simm.s32 @!p0 $0x1082;
	s9 =	sld [smem:$0x3FA8]  }
0x2f: {  	lr =	sadd.s32 s0, s3;
	s0 =	sld [smem:$0x3F9F]  }
0x30: {  	s3 =	sld [smem:$0x3FA2]  }
0x31: {  	[smem:$0x3FAB] =	sst s10  }
0x32: {  	s10 =	sld [smem:$0x3FA9];
	_ =	sdelay $0x3  }
0x33: {  	p0 =	seq.s32 s10, $0x1;
	s10 =	sld [smem:$0x3FAB];
	_ =	sdelay $0x3  }
0x34: {  	[smem:$0x3FAB] =	sst s10  }
0x35: {  	s10 =	sld [smem:$0x3FAA];
	_ =	sdelay $0x3  }
0x36: {  	p1 =	seq.s32 s10, $0x1;
	s10 =	sld [smem:$0x3FAB];
	_ =	sdelay $0x3  }
0x37: {  	[smem:$0x3FAB] =	sst s10  }
0x38: {  	s10 =	sld [smem:$0x3FAC]  }
0x39: {  	_ = 	snop;
	(pc) =	sbr.ind lr, $3  }
0x3a: {  	_ = 	snop  }
0x3b: {  	_ = 	snop  }
0x3c: {  	p2 =	seq.s32 s10, $0x1;
	s10 =	sld [smem:$0x3FAB]  }
0x3d: {  	_ =	shalt  }
0x3e: {  	_ =	shalt  }
0x3f: {  	_ =	shalt  }
0x40: {  	_ =	shalt  }
0x41: {  	_ =	shalt  }
0x42: {  	_ =	shalt  }
0x43: {  	_ =	shalt  }
0x44: {  	_ =	shalt  }
0x45: {  	_ =	shalt  }
0x46: {  	_ =	shalt  }
0x47: {  	_ =	shalt  }
0x48: {  	_ =	shalt  }
0x49: {  	_ =	shalt  }
0x4a: {  	_ =	shalt  }
0x4b: {  	_ =	shalt  }
0x4c: {  	_ =	shalt  }
0x4d: {  	_ =	shalt  }
0x4e: {  	_ =	shalt  }
0x4f: {  	_ =	shalt  }
0x50: {  	_ =	shalt  }
0x51: {  	_ =	shalt  }
0x52: {  	_ =	shalt  }
0x53: {  	_ =	shalt  }
0x54: {  	_ =	shalt  }
0x55: {  	_ =	shalt  }
0x56: {  	_ =	shalt  }
0x57: {  	_ =	shalt  }
0x58: {  	_ =	shalt  }
0x59: {  	_ =	shalt  }
0x5a: {  	_ =	shalt  }
0x5b: {  	_ =	shalt  }
0x5c: {  	_ =	shalt  }
0x5d: {  	_ =	shalt  }
0x5e: {  	_ =	shalt  }
0x5f: {  	_ =	shalt  }
0x60: {  	_ =	shalt  }
0x61: {  	_ =	shalt  }
0x62: {  	_ =	shalt  }
0x63: {  	_ =	shalt  }
0x64: {  	_ =	shalt  }
0x65: {  	_ =	shalt  }
0x66: {  	_ =	shalt  }
0x67: {  	_ =	shalt  }
0x68: {  	_ =	shalt  }
0x69: {  	_ =	shalt  }
0x6a: {  	_ =	shalt  }
0x6b: {  	_ =	shalt  }
0x6c: {  	_ =	shalt  }
0x6d: {  	_ =	shalt  }
0x6e: {  	_ =	shalt  }
0x6f: {  	_ =	shalt  }
0x70: {  	_ =	shalt  }
0x71: {  	_ =	shalt  }
0x72: {  	_ =	shalt  }
0x73: {  	_ =	shalt  }
0x74: {  	_ =	shalt  }
0x75: {  	_ =	shalt  }
0x76: {  	_ =	shalt  }
0x77: {  	_ =	shalt  }
0x78: {  	_ =	shalt  }
0x79: {  	_ =	shalt  }
0x7a: {  	_ =	shalt  }
0x7b: {  	_ =	shalt  }
0x7c: {  	_ =	shalt  }
0x7d: {  	_ =	shalt  }
0x7e: {  	_ =	shalt  }
0x7f: {  	_ =	shalt  }
0x80: {  	_ =	shalt  }
0x81: {  	_ =	shalt  }
0x82: {  	_ =	shalt  }
0x83: {  	_ =	shalt  }
0x84: {  	_ =	shalt  }
0x85: {  	_ =	shalt  }
0x86: {  	_ =	shalt  }
0x87: {  	_ =	shalt  }
.Lfunc_end0:
.L_simem_size_0:
called_computation_lowered:
.L_overlay_start_0:
0x88: {  	s2 =	sld [smem:$0x3FD9]  }
0x89: {  	s3 =	sld [smem:$0x3FFE];
	_ =	sdelay $0x1  }
0x8a: {  	s1 =	srdreg.scid  }
0x8b: {  	s0 =	sand.u32 $0x1, s1  }
0x8c: {  	s17 =	sshll.u32 s0, $0xA;
	s2 =	sadd.s32 s3, s2  }
0x8d: {  	s2 =	sadd.s32 s2, s17  }
0x8e: {  	[smem:$0x3FB7] =	sst s2  }
0x8f: {  	_ = 	snop  }
0x90: {  	s2 =	sld [smem:$0x3FD0];
	(tm) =	ssettm $0x1  }
0x91: {  	s18 =	sld [smem:$0x3FFB];
	_ =	sdelay $0x3  }
0x92: {  	_ =	strace s18  }
0x93: {  	s3 =	sld [smem:$0x3FFC];
	_ =	sdelay $0x3  }
0x94: {  	_ =	strace s3  }
0x95: {  	s3 =	sld [smem:$0x3FFD];
	_ =	sdelay $0x3  }
0x96: {  	_ =	strace s3  }
0x97: {  	_ =	strace $0x8FFFFFFF  }
0x98: {  	s19 =	sld [smem:$0x3FDB];
	_ =	sdelay $0x1  }
0x99: {  	s4 =	simm.s32 $_scs_section_size  }
0x9a: {  	s5 =	simm.s32 $_size__tile_overlayer_lowered;
	s6 =	simm.s32 $_tile_overlayer_lowered  }
0x9b: {  	s22 =	simm.s32 $0x1BFF;
	s21 =	sshll.u32 s6, $0x1;
	s3 =	sadd.s32 s4, s19  }
0x9c: {  	s7 =	simm.s32 $0x0;
	s20 =	sshll.u32 s5, $0x1;
	s5 =	sadd.s32 s21, s3  }
0x9d: {  	[timem:s7], [sflag:s22] =	dma.local [hbm:s5], s20  }
0x9e: {  	_ =	swait.ge [sflag:s22], s20  }
0x9f: {  	s4 =	ssub.s32 $0x0, s20;
	[sflag:s22] =	ssyncset.done $0x0  }
0xa0: {  	[sflag:s22] =	ssyncadd.s32 s4;
	_ =	sdelay $0x1  }
0xa1: {  	s23 =	simm.s32 $0x1B8B  }
0xa2: {  	_ =	swait.ge [sflag:s23], $0x1  }
0xa3: {  	[sflag:s23] =	ssyncset.done $0x0  }
0xa4: {  	s25 =	simm.s32 $0x1B8E;
	s24 =	sld [smem:$0x3FFE];
	[sflag:s23] =	ssyncadd.s32 $0xFFFFFFFF  }
0xa5: {  	s26 =	simm.s32 $execute0_lowered;
	[smem:$0x3FD2] =	sst s25  }
0xa6: {  	s5 =	sshll.u32 s26, $0x1;
	_ =	strace $0x80000046;
	[dreg:$0x1] =	wrdreg $0xFFFFFFFF  }
0xa7: {  	s28 =	simm.s32 $_size_execute0_lowered;
	s3 =	sadd.s32 s3, s5;
	[dreg:$0x0] =	wrdreg $0x0  }
0xa8: {  	s5 =	sshll.u32 s28, $0x1;
	[dreg:$0x2] =	wrdreg s3  }
0xa9: {  	[dreg:$0x3] =	wrdreg s5  }
0xaa: {  	[dreg:$0x4] =	wrdreg $0xC0  }
0xab: {  	_ =	task [dreg:s7], $0x5FFFF  }
0xac: {  	[dreg:$0x1] =	wrdreg $0xFFFFFFFF  }
0xad: {  	[dreg:$0x0] =	wrdreg $0x60  }
0xae: {  	[dreg:$0x2] =	wrdreg s24  }
0xaf: {  	[dreg:$0x3] =	wrdreg s2  }
0xb0: {  	[dreg:$0x4] =	wrdreg $0x7EC00  }
0xb1: {  	[dreg:$0x5] =	wrdreg $0x9  }
0xb2: {  	_ =	task.clear_ibuf [dreg:s7], $0x6FFFF;
	_ =	strace $0x90000046  }
0xb3: {  	s29 =	simm.s32 $0x9;
	_ =	strace $0x80000048  }
0xb4: {  	_ =	swait.ge [sflag:s29], $0x1  }
0xb5: {  	[sflag:s29] =	ssyncadd.s32 $0xFFFFFFFF  }
0xb6: {  	_ =	strace $0x90000048  }
0xb7: {  	_ =	sfence  }
0xb8: {  	s30 =	sld [smem:$0x0];
	_ =	sdelay $0x2  }
0xb9: {  	s31 =	sshll.u32 s1, $0xD;
	s1 =	sshrl.u32 s1, $0x2  }
0xba: {  	s3 =	sand.u32 $0x4000, s31;
	s1 =	sadd.s32 s1, s30  }
0xbb: {  	s0 =	sor.u32 s3, s0;
	s1 =	sshll.u32 s1, $0x11  }
0xbc: {  	s0 =	sor.u32 s1, s0  }
0xbd: {  	s0 =	sadd.s32 $0x8F2B, s0  }
0xbe: {  	[sflag:s0] =	ssyncadd.remote.s32 $0x1  }
0xbf: {  	_ =	sfence.sel $0xFFFF  }
0xc0: {  	[dreg:$0x0] =	wrdreg $0xFFFFFFFF;
	(pc) =	sbr.abs _section_cstart, $3  }
0xc1: {  	[dreg:$0x1] =	wrdreg $0xFFFFFFFF  }
0xc2: {  	_ =	task.clear_ibuf [dreg:s7], $0x2FFFF;
	_ =	strace $0x9FFFFFFF  }
0xc3: {  	(tm) =	ssettm $0x7FFFFFFF  }
tec
execute0_lowered:
.L_overlay_start_1:
0x0: {  	(tag) =	ssettag $0x1  }
0x1: {  	s0 =	rddreg [dreg:$0x0]  }
0x2: {  	s1 =	rddreg [dreg:$0x1]  }
0x3: {  	s2 =	rddreg [dreg:$0x2];
	s3 =	simm.s32 $0x0  }
0x4: {  	s4 =	srdreg.scid;
	s16 =	stileid.u32;
	s28 =	simm.s32 $0xA0  }
0x5: {  	s29 =	simm.s32 $0x140;
	s30 =	simm.s32 $0x1;
	s31 =	simm.s32 $0xF0  }
0x6: {  	[smem:$0x7FF] =	sst s3;
	s5 =	sadd.s32 $0xBA00, s0;
	s6 =	sadd.s32 $0xA7E00, s0  }
0x7: {  	s4 =	sand.u32 $0x1, s4;
	s8 =	smul.u32 $0x57E40, s16;
	s7 =	sadd.s32 $0x1C00, s0  }
0x8: {  	s9 =	sadd.s32 $0x1A00, s0;
	s0 =	sadd.s32 $0x144200, s0;
	s17 =	smul.u32 $0x271, s16  }
0x9: {  	s16 =	smul.u32 $0x2710, s16;
	_ =	strace $0x80000047;
	s10 =	ssub.s32 $0x2, s4  }
0xa: {  	s18 =	smul.u32 $0x2710, s4;
	s19 =	sor.u32 $0x2, s4;
	s4 =	sshll.u32 s4, $0x4  }
0xb: {  	s11 =	sshrl.u32 s10, $0x1;
	s8 =	sshrl.u32 s8, $0x2;
	s21 =	smul.u32 $0x2710, s19  }
0xc: {  	s4 =	sadd.s32 s9, s4;
	s24 =	sshll.u32 s19, $0x4;
	s10 =	ssub.s32 s10, s11  }
0xd: {  	s8 =	sadd.s32 s8, s2;
	s20 =	sadd.s32 s17, s18;
	[dreg:$0x7] =	wrdreg s4  }
0xe: {  	s4 =	sadd.s32 s9, s24;
	s24 =	simm.s32 $0x3;
	s11 =	sadd.s32 $0x2D00, s8  }
0xf: {  	s12 =	sadd.s32 $0x5A00, s8;
	s22 =	sadd.s32 $0x8700, s8;
	s23 =	sadd.s32 $0xB400, s8  }
0x10: {  	s13 =	sadd.s32 $0xE100, s8;
	s14 =	sadd.s32 $0x10E00, s8;
	[dreg:$0x9] =	wrdreg s4  }
0x11: {  	s15 =	sadd.s32 $0x13B00, s8;
	s20 =	smul.u32 $0x12, s20;
	[dreg:$0x4] =	wrdreg s12  }
0x12: {  	s17 =	sadd.s32 s17, s21;
	s26 =	smax.u32 s10, $0x1;
	[dreg:$0x5] =	wrdreg s22  }
0x13: {  	s4 =	simm.s32 $0x2;
	[dreg:$0x6] =	wrdreg s23;
	s17 =	smul.u32 $0x12, s17  }
0x14: {  	[dreg:$0xb] =	wrdreg s26;
	s23 =	simm.s32 $0x5140;
	s25 =	sadd.s32 s0, s20  }
0x15: {  	s26 =	simm.s32 $0x50;
	[dreg:$0x8] =	wrdreg s25;
	s0 =	sadd.s32 s0, s17  }
0x16: {  	v2 =	vimm.f32 $0.0e+00;
	v0 =	vmov s18;
	v1 =	vmov s21;
	s20 =	sadd.s32 $0x27100, s16;
	[dreg:$0xa] =	wrdreg s0;
	s0 =	simm.s32 $0x2940  }
.LBB2_1:
0x17: {  	s9 =	simm.s32 $0x0;
	s10 =	simm.s32 $0x240  }
.LBB2_2:
0x18: {  	p0 =	sne.s32 s10, $0xB1C0;
	[tilespmem:s9+$0x51C0] =	vst v2  }
0x19: {  	[tilespmem:s9+$0x5140] =	vst v2  }
0x1a: {  	[tilespmem:s9+$0x5150] =	vst v2  }
0x1b: {  	[tilespmem:s9+$0x5160] =	vst v2  }
.Ltmp0:
0x1c: {  	[tilespmem:s9+$0x5170] =	vst v2;
	(pc) =	sbr.rel @p0 .LBB2_2-.Ltmp0, $4  }
0x1d: {  	[tilespmem:s9+$0x5180] =	vst v2  }
0x1e: {  	[tilespmem:s9+$0x5190] =	vst v2  }
0x1f: {  	[tilespmem:s9+$0x51A0] =	vst v2  }
0x20: {  	[tilespmem:s9+$0x51B0] =	vst v2;
	s9 =	sshra.s32 s10, $0x2;
	s10 =	sadd.s32 $0x240, s10  }
0x21: {  	[tilespmem:s9+$0x51C0] =	vst v2  }
0x22: {  	[tilespmem:s9+$0x5140] =	vst v2  }
0x23: {  	[tilespmem:s9+$0x5150] =	vst v2  }
0x24: {  	[tilespmem:s9+$0x5160] =	vst v2  }
0x25: {  	[tilespmem:s9+$0x5170] =	vst v2  }
0x26: {  	[tilespmem:s9+$0x5180] =	vst v2  }
0x27: {  	[tilespmem:s9+$0x5190] =	vst v2  }
0x28: {  	[tilespmem:s9+$0x51A0] =	vst v2  }
0x29: {  	[tilespmem:s9+$0x51B0] =	vst v2  }
0x2a: {  	[spmem:s8] =	stream.linear.scatter [tilespmem:s23], [sflag:$0x3], $0x2D00, $0x38;
	[tilespmem:$0x1DE50] =	vst v63  }
0x2b: {  	_ =	swait.ge [sflag:s24], $0x2D00  }
0x2c: {  	[sflag:s24] =	ssyncset.done $0x0  }
0x2d: {  	[sflag:s24] =	ssyncadd.s32 $0xFFFFD300  }
0x2e: {  	[spmem:s11] =	stream.linear.scatter [tilespmem:s23], [sflag:$0x3], $0x2D00, $0x38;
	[tilespmem:$0x1DE50] =	vst v63  }
0x2f: {  	_ =	swait.ge [sflag:s24], $0x2D00  }
0x30: {  	[sflag:s24] =	ssyncset.done $0x0  }
0x31: {  	s19 =	rddreg [dreg:$0x4];
	[sflag:s24] =	ssyncadd.s32 $0xFFFFD300  }
0x32: {  	[spmem:s19] =	stream.linear.scatter [tilespmem:s23], [sflag:$0x3], $0x2D00, $0x38;
	[tilespmem:$0x1DE50] =	vst v63  }
0x33: {  	_ =	swait.ge [sflag:s24], $0x2D00  }
0x34: {  	[sflag:s24] =	ssyncset.done $0x0  }
0x35: {  	s21 =	rddreg [dreg:$0x5];
	[sflag:s24] =	ssyncadd.s32 $0xFFFFD300  }
0x36: {  	[spmem:s21] =	stream.linear.scatter [tilespmem:s23], [sflag:$0x3], $0x2D00, $0x38;
	[tilespmem:$0x1DE50] =	vst v63  }
0x37: {  	_ =	swait.ge [sflag:s24], $0x2D00  }
0x38: {  	[sflag:s24] =	ssyncset.done $0x0  }
0x39: {  	s22 =	rddreg [dreg:$0x6];
	[sflag:s24] =	ssyncadd.s32 $0xFFFFD300  }
0x3a: {  	[spmem:s22] =	stream.linear.scatter [tilespmem:s23], [sflag:$0x3], $0x2D00, $0x38;
	[tilespmem:$0x1DE50] =	vst v63  }
0x3b: {  	_ =	swait.ge [sflag:s24], $0x2D00  }
0x3c: {  	[sflag:s24] =	ssyncset.done $0x0  }
0x3d: {  	[sflag:s24] =	ssyncadd.s32 $0xFFFFD300  }
0x3e: {  	[spmem:s13] =	stream.linear.scatter [tilespmem:s23], [sflag:$0x3], $0x2D00, $0x38;
	[tilespmem:$0x1DE50] =	vst v63  }
0x3f: {  	_ =	swait.ge [sflag:s24], $0x2D00  }
0x40: {  	[sflag:s24] =	ssyncset.done $0x0  }
0x41: {  	[sflag:s24] =	ssyncadd.s32 $0xFFFFD300  }
0x42: {  	[spmem:s14] =	stream.linear.scatter [tilespmem:s23], [sflag:$0x3], $0x2D00, $0x38;
	[tilespmem:$0x1DE50] =	vst v63  }
0x43: {  	_ =	swait.ge [sflag:s24], $0x2D00  }
0x44: {  	[sflag:s24] =	ssyncset.done $0x0  }
0x45: {  	[sflag:s24] =	ssyncadd.s32 $0xFFFFD300  }
0x46: {  	[spmem:s15] =	stream.linear.scatter [tilespmem:s23], [sflag:$0x3], $0x2490, $0x38;
	[tilespmem:$0x1DE50] =	vst v63  }
0x47: {  	_ =	swait.ge [sflag:s24], $0x2490  }
0x48: {  	s17 =	simm.s32 $0x0;
	[sflag:s24] =	ssyncset.done $0x0  }
0x49: {  	s10 =	simm.s32 $0x7E40;
	s25 =	rddreg [dreg:$0x7];
	[sflag:s24] =	ssyncadd.s32 $0xFFFFDB70  }
0x4a: {  	[tilespmem:s10], [sflag:$0x3] =	stream.linear.gather [hbm4b:s25+s17], $0x80, $0x38;
	[tilespmem:$0x1DE50] =	vst v63  }
0x4b: {  	_ =	swait.ge [sflag:s24], $0x80  }
0x4c: {  	[sflag:s24] =	ssyncset.done $0x0  }
0x4d: {  	[sflag:s24] =	ssyncadd.s32 $0xFFFFFF80  }
0x4e: {  	s18 =	simm.s32 $0x0;
	[bflag:$0x0] =	sbarrier.arrive $0xFFFF  }
.LBB2_4:
0x4f: {  	s9 =	smul.u32 $0x50, s18;
	_ =	sdelay $0x1  }
0x50: {  	s9 =	sadd.s32 s16, s9  }
0x51: {  	s9 =	sshrl.u32 s9, $0x3  }
0x52: {  	s10 =	sadd.s32 s1, s9  }
0x53: {  	[tilespmem:s17], [sflag:$0x3] =	stream.linear.gather [hbm4b:s10+s17], $0x50, $0x38;
	[tilespmem:$0x1DE50] =	vst v63  }
0x54: {  	_ =	swait.ge [sflag:s24], $0x50  }
0x55: {  	[sflag:s24] =	ssyncset.done $0x0  }
0x56: {  	s9 =	sadd.s32 s7, s9;
	[sflag:s24] =	ssyncadd.s32 $0xFFFFFFB0  }
0x57: {  	[tilespmem:s26], [sflag:$0x3] =	stream.linear.gather [hbm4b:s9+s17], $0x50, $0x38;
	[tilespmem:$0x1DE50] =	vst v63  }
0x58: {  	_ =	swait.ge [sflag:s24], $0x50  }
0x59: {  	[sflag:s24] =	ssyncset.done $0x0  }
0x5a: {  	[sflag:s24] =	ssyncadd.s32 $0xFFFFFFB0  }
0x5b: {  	v3 =	vld [tilespmem:$0x0]  }
0x5c: {  	v4 =	vld [tilespmem:$0x50]  }
0x5d: {  	v5 =	vld [tilespmem:$0x10]  }
0x5e: {  	v6 =	vld [tilespmem:$0x60]  }
0x5f: {  	v7 =	vld [tilespmem:$0x20]  }
0x60: {  	v8 =	vld [tilespmem:$0x70];
	v3 =	vadd.s32 v0, v3  }
0x61: {  	[tilespmem:$0xA0] =	vst v3;
	v3 =	vadd.s32 v0, v4;
	v4 =	vld [tilespmem:$0x30]  }
0x62: {  	[tilespmem:$0xF0] =	vst v3;
	v3 =	vadd.s32 v0, v5;
	v5 =	vld [tilespmem:$0x80]  }
0x63: {  	[tilespmem:$0xB0] =	vst v3;
	v3 =	vadd.s32 v0, v6;
	v6 =	vld [tilespmem:$0x40]  }
0x64: {  	[tilespmem:$0x100] =	vst v3;
	v3 =	vadd.s32 v0, v7;
	v7 =	vld [tilespmem:$0x90]  }
0x65: {  	[tilespmem:$0xC0] =	vst v3;
	v3 =	vadd.s32 v0, v8  }
0x66: {  	[tilespmem:$0x110] =	vst v3;
	v3 =	vadd.s32 v0, v4  }
0x67: {  	[tilespmem:$0xD0] =	vst v3;
	v3 =	vadd.s32 v0, v5  }
0x68: {  	[tilespmem:$0x120] =	vst v3;
	v3 =	vadd.s32 v0, v6  }
0x69: {  	[tilespmem:$0xE0] =	vst v3;
	v3 =	vadd.s32 v0, v7  }
0x6a: {  	[tilespmem:$0x130] =	vst v3  }
0x6b: {  	[tilespmem:s29], [sflag:$0x1] =	stream.indirect.gather [hbm4b:s5+s26], $0x80, s28, s26, $0xb8;
	[tilespmem:$0x1DE50] =	vst v63  }
0x6c: {  	_ =	swait.ge [sflag:s30], $0x2800  }
0x6d: {  	[sflag:s30] =	ssyncset.done $0x0  }
0x6e: {  	[sflag:s30] =	ssyncadd.s32 $0xFFFFD800  }
0x6f: {  	[tilespmem:s0], [sflag:$0x2] =	stream.indirect.gather [hbm4b:s6+s26], $0x80, s31, s26, $0xb8;
	[tilespmem:$0x1DE50] =	vst v63  }
0x70: {  	_ =	swait.ge [sflag:s4], $0x2800  }
0x71: {  	[sflag:s4] =	ssyncset.done $0x0  }
0x72: {  	s19 =	simm.s32 $0x0;
	[sflag:s4] =	ssyncadd.s32 $0xFFFFD800  }
0x73: {  	v3 =	vld [tilespmem:s19+$0x2940]  }
0x74: {  	v4 =	vld [tilespmem:s19+$0x160]  }
0x75: {  	v5 =	vld [tilespmem:s19+$0x2960]  }
0x76: {  	v6 =	vld [tilespmem:s19+$0x150]  }
0x77: {  	v7 =	vld [tilespmem:s19+$0x140]  }
0x78: {  	v43 =	vld [tilespmem:s19+$0x2950]  }
0x79: {  	v9 =	vld [tilespmem:s19+$0x2990]  }
0x7a: {  	v10 =	vld [tilespmem:s19+$0x2980]  }
0x7b: {  	v11 =	vld [tilespmem:s19+$0x2970]  }
0x7c: {  	v12 =	vld [tilespmem:s19+$0x170]  }
0x7d: {  	v44 =	vld [tilespmem:s19+$0x180]  }
0x7e: {  	v46 =	vld [tilespmem:s19+$0x190];
	v3 =	vadd.f32 v3, v7  }
0x7f: {  	v6 =	vadd.f32 v43, v6  }
0x80: {  	v13 =	vld [tilespmem:$0x7E40];
	v4 =	vadd.f32 v5, v4;
	v14 =	vmin.f32 v3, $0.0e+00  }
0x81: {  	v16 =	vld [tilespmem:$0x7E50];
	v11 =	vadd.f32 v11, v12;
	v15 =	vmin.f32 v6, $0.0e+00;
	v5 =	vmul.f32 $2.000000030e-01, v14  }
0x82: {  	v47 =	vld [tilespmem:s19+$0x29B0];
	v8 =	vadd.f32 v10, v44;
	v3 =	vmax.f32 v3, $0.0e+00;
	v45 =	vmul.f32 $2.000000030e-01, v15  }
0x83: {  	v50 =	vld [tilespmem:s19+$0x29A0];
	v9 =	vadd.f32 v9, v46;
	v6 =	vmax.f32 v6, $0.0e+00;
	v3 =	vadd.f32 v5, v3  }
0x84: {  	v17 =	vmin.f32 v4, $0.0e+00;
	v49 =	vmin.f32 v11, $0.0e+00;
	v5 =	vadd.f32 v45, v6;
	v6 =	vld [tilespmem:$0x7E60]  }
0x85: {  	v51 =	vld [tilespmem:s19+$0x1A0];
	v4 =	vmax.f32 v4, $0.0e+00;
	v48 =	vmul.f32 $2.000000030e-01, v17;
	v3 =	vmul.f32 v3, v13  }
0x86: {  	v53 =	vld [tilespmem:$0x7E70];
	v18 =	vmin.f32 v8, $0.0e+00;
	v11 =	vmax.f32 v11, $0.0e+00;
	v52 =	vmul.f32 $2.000000030e-01, v49  }
0x87: {  	v55 =	vld [tilespmem:s19+$0x1B0];
	v4 =	vadd.f32 v48, v4;
	v5 =	vmul.f32 v5, v16;
	v3 =	vadd.f32 $0.0e+00, v3  }
0x88: {  	v56 =	vld [tilespmem:$0x7E80];
	v8 =	vmax.f32 v8, $0.0e+00;
	v19 =	vmin.f32 v9, $0.0e+00;
	v54 =	vmul.f32 $2.000000030e-01, v18  }
0x89: {  	v4 =	vmul.f32 v4, v6;
	v6 =	vld [tilespmem:$0x7E90];
	v3 =	vadd.f32 v5, v3;
	v5 =	vadd.f32 v52, v11  }
0x8a: {  	v10 =	vadd.f32 v50, v51;
	v57 =	vmul.f32 $2.000000030e-01, v19;
	v8 =	vadd.f32 v54, v8  }
0x8b: {  	v3 =	vadd.f32 v4, v3;
	v4 =	vmul.f32 v5, v53;
	v5 =	vmax.f32 v9, $0.0e+00  }
0x8c: {  	v59 =	vld [tilespmem:$0x7EA0];
	v12 =	vadd.f32 v47, v55;
	v58 =	vmin.f32 v10, $0.0e+00;
	v5 =	vadd.f32 v57, v5  }
0x8d: {  	v60 =	vmul.f32 $2.000000030e-01, v58;
	v3 =	vadd.f32 v4, v3;
	v4 =	vmul.f32 v8, v56  }
0x8e: {  	v62 =	vld [tilespmem:$0x7EB0];
	v61 =	vmin.f32 v12, $0.0e+00;
	v5 =	vmul.f32 v5, v6;
	v6 =	vmax.f32 v10, $0.0e+00  }
0x8f: {  	v3 =	vadd.f32 v4, v3;
	v4 =	vadd.f32 v60, v6;
	v6 =	vmul.f32 $2.000000030e-01, v61  }
0x90: {  	v63 =	vmax.f32 v12, $0.0e+00  }
0x91: {  	v3 =	vadd.f32 v5, v3;
	v4 =	vmul.f32 v4, v59;
	v5 =	vadd.f32 v6, v63;
	_ =	sdelay $0x1  }
0x92: {  	v3 =	vadd.f32 v4, v3;
	v4 =	vmul.f32 v5, v62;
	_ =	sdelay $0x1  }
0x93: {  	v3 =	vadd.f32 v4, v3;
	_ =	sdelay $0x1  }
0x94: {  	(xrf2) =	vadd.scan.msk.f32 $0xffff, v3;
	_ =	sdelay $0x9  }
0x95: {  	v3, _, _ =	vpop (xrf2)  }
0x96: {  	v3 =	vmul.f32 $1.442695020e+00, v3;
	_ =	sdelay $0x1  }
0x97: {  	v3 =	vbroadcast v3, $0xF;
	_ =	sdelay $0x1  }
0x98: {  	(erf) = vpow2.f32 v3;
	_ =	sdelay $0x8  }
0x99: {  	v4 =	vpop (erf)  }
0x9a: {  	v3 =	vmul.f32 v4, v7  }
0x9b: {  	s21 =	simm.s32 $0x5180  }
0x9c: {  	[tilespmem:s21+$0xFFFFFFC0] =	vst v3  }
0x9d: {  	v3 =	vld [tilespmem:s19+$0x150];
	_ =	sdelay $0x4  }
0x9e: {  	v3 =	vmul.f32 v4, v3;
	_ =	sdelay $0x1  }
0x9f: {  	[tilespmem:s21+$0xFFFFFFD0] =	vst v3  }
0xa0: {  	v3 =	vld [tilespmem:s19+$0x160];
	_ =	sdelay $0x4  }
0xa1: {  	v3 =	vmul.f32 v4, v3;
	_ =	sdelay $0x1  }
0xa2: {  	[tilespmem:s21+$0xFFFFFFE0] =	vst v3  }
0xa3: {  	v3 =	vld [tilespmem:s19+$0x170];
	_ =	sdelay $0x4  }
0xa4: {  	v3 =	vmul.f32 v4, v3;
	_ =	sdelay $0x1  }
0xa5: {  	[tilespmem:s21+$0xFFFFFFF0] =	vst v3  }
0xa6: {  	v3 =	vld [tilespmem:s19+$0x180];
	_ =	sdelay $0x4  }
0xa7: {  	v3 =	vmul.f32 v4, v3;
	_ =	sdelay $0x1  }
0xa8: {  	[tilespmem:s21+$0x0] =	vst v3  }
0xa9: {  	s22 =	simm.s32 $0x5180;
	s9 =	simm.s32 $0x200;
	v3 =	vld [tilespmem:s19+$0x190]  }
.LBB2_5:
0xaa: {  	_ = 	snop  }
0xab: {  	p0 =	sne.s32 s9, $0x9E00  }
0xac: {  	s21 =	sadd.s32 $0x90, s21;
	s10 =	smov.u32 s9;
	s9 =	sadd.s32 $0x200, s9  }
0xad: {  	_ = 	snop  }
0xae: {  	v3 =	vmul.f32 v4, v3;
	_ =	sdelay $0x1  }
0xaf: {  	[tilespmem:s22+$0x10] =	vst v3  }
0xb0: {  	s10 =	sshra.s32 s10, $0x2;
	v3 =	vld [tilespmem:s19+$0x1A0];
	_ =	sdelay $0x4  }
0xb1: {  	v3 =	vmul.f32 v3, v4;
	_ =	sdelay $0x1  }
0xb2: {  	[tilespmem:s22+$0x20] =	vst v3  }
0xb3: {  	v3 =	vld [tilespmem:s19+$0x1B0];
	s19 =	smov.u32 s10  }
0xb4: {  	[tilespmem:s22+$0x40] =	vst v4;
	_ =	sdelay $0x3  }
0xb5: {  	v3 =	vmul.f32 v3, v4;
	_ =	sdelay $0x1  }
0xb6: {  	[tilespmem:s22+$0x30] =	vst v3;
	s22 =	smov.u32 s21  }
0xb7: {  	v4 =	vld [tilespmem:s19+$0x2940]  }
0xb8: {  	v5 =	vld [tilespmem:s19+$0x160]  }
0xb9: {  	v6 =	vld [tilespmem:s19+$0x2960]  }
0xba: {  	v7 =	vld [tilespmem:s19+$0x150]  }
0xbb: {  	v3 =	vld [tilespmem:s19+$0x140]  }
0xbc: {  	v8 =	vld [tilespmem:s19+$0x2950]  }
0xbd: {  	v9 =	vld [tilespmem:s19+$0x2990]  }
0xbe: {  	v5 =	vadd.f32 v6, v5;
	v6 =	vld [tilespmem:s19+$0x2980]  }
0xbf: {  	v10 =	vld [tilespmem:s19+$0x2970]  }
0xc0: {  	v11 =	vmin.f32 v5, $0.0e+00;
	v12 =	vld [tilespmem:s19+$0x170]  }
0xc1: {  	v4 =	vadd.f32 v4, v3;
	v13 =	vld [tilespmem:$0x7E40];
	v7 =	vadd.f32 v8, v7;
	v8 =	vmul.f32 $2.000000030e-01, v11  }
0xc2: {  	v11 =	vld [tilespmem:s19+$0x180]  }
0xc3: {  	v14 =	vmin.f32 v4, $0.0e+00;
	v15 =	vmin.f32 v7, $0.0e+00;
	v16 =	vld [tilespmem:$0x7E50]  }
0xc4: {  	v14 =	vmul.f32 $2.000000030e-01, v14;
	v15 =	vmul.f32 $2.000000030e-01, v15;
	v17 =	vld [tilespmem:s19+$0x190]  }
0xc5: {  	v4 =	vmax.f32 v4, $0.0e+00;
	v7 =	vmax.f32 v7, $0.0e+00;
	v10 =	vadd.f32 v10, v12;
	v12 =	vld [tilespmem:s19+$0x29B0]  }
0xc6: {  	v4 =	vadd.f32 v14, v4;
	v7 =	vadd.f32 v15, v7;
	v14 =	vld [tilespmem:$0x7E60]  }
0xc7: {  	v15 =	vmin.f32 v10, $0.0e+00;
	v6 =	vadd.f32 v6, v11;
	v11 =	vld [tilespmem:s19+$0x29A0]  }
0xc8: {  	v5 =	vmax.f32 v5, $0.0e+00;
	v4 =	vmul.f32 v4, v13;
	v7 =	vmul.f32 v7, v16;
	v13 =	vld [tilespmem:s19+$0x1A0]  }
0xc9: {  	v15 =	vmul.f32 $2.000000030e-01, v15;
	v16 =	vld [tilespmem:$0x7E70];
	v18 =	vmin.f32 v6, $0.0e+00;
	v9 =	vadd.f32 v9, v17  }
0xca: {  	v5 =	vadd.f32 v8, v5;
	v4 =	vadd.f32 $0.0e+00, v4;
	v8 =	vmul.f32 $2.000000030e-01, v18;
	v17 =	vld [tilespmem:s19+$0x1B0]  }
0xcb: {  	v10 =	vmax.f32 v10, $0.0e+00;
	v6 =	vmax.f32 v6, $0.0e+00;
	v18 =	vld [tilespmem:$0x7E80];
	v19 =	vmin.f32 v9, $0.0e+00  }
0xcc: {  	v4 =	vadd.f32 v7, v4;
	v5 =	vmul.f32 v5, v14;
	v7 =	vadd.f32 v15, v10;
	v10 =	vld [tilespmem:$0x7E90]  }
0xcd: {  	v6 =	vadd.f32 v8, v6;
	v8 =	vmul.f32 $2.000000030e-01, v19;
	v11 =	vadd.f32 v11, v13  }
0xce: {  	v4 =	vadd.f32 v5, v4;
	v5 =	vmul.f32 v7, v16;
	v7 =	vmax.f32 v9, $0.0e+00  }
0xcf: {  	v7 =	vadd.f32 v8, v7;
	v8 =	vmin.f32 v11, $0.0e+00;
	v9 =	vld [tilespmem:$0x7EA0];
	v12 =	vadd.f32 v12, v17  }
0xd0: {  	v4 =	vadd.f32 v5, v4;
	v5 =	vmul.f32 v6, v18;
	v6 =	vmul.f32 $2.000000030e-01, v8  }
0xd1: {  	v8 =	vmax.f32 v11, $0.0e+00;
	v7 =	vmul.f32 v7, v10;
	v10 =	vmin.f32 v12, $0.0e+00;
	v11 =	vld [tilespmem:$0x7EB0]  }
0xd2: {  	v4 =	vadd.f32 v5, v4;
	v5 =	vadd.f32 v6, v8;
	v6 =	vmul.f32 $2.000000030e-01, v10  }
0xd3: {  	v8 =	vmax.f32 v12, $0.0e+00  }
0xd4: {  	v4 =	vadd.f32 v7, v4;
	v5 =	vmul.f32 v5, v9;
	v6 =	vadd.f32 v6, v8;
	_ =	sdelay $0x1  }
0xd5: {  	v4 =	vadd.f32 v5, v4;
	v5 =	vmul.f32 v6, v11;
	_ =	sdelay $0x1  }
0xd6: {  	v4 =	vadd.f32 v5, v4;
	_ =	sdelay $0x1  }
0xd7: {  	(xrf2) =	vadd.scan.msk.f32 $0xffff, v4;
	_ =	sdelay $0x9  }
0xd8: {  	v4, _, _ =	vpop (xrf2)  }
0xd9: {  	v4 =	vmul.f32 $1.442695020e+00, v4;
	_ =	sdelay $0x1  }
0xda: {  	v4 =	vbroadcast v4, $0xF;
	_ =	sdelay $0x1  }
0xdb: {  	(erf) = vpow2.f32 v4;
	_ =	sdelay $0x8  }
0xdc: {  	v4 =	vpop (erf)  }
0xdd: {  	v3 =	vmul.f32 v4, v3;
	_ =	sdelay $0x1  }
0xde: {  	[tilespmem:s21+$0xFFFFFFC0] =	vst v3  }
0xdf: {  	v3 =	vld [tilespmem:s19+$0x150];
	_ =	sdelay $0x4  }
0xe0: {  	v3 =	vmul.f32 v4, v3;
	_ =	sdelay $0x1  }
0xe1: {  	[tilespmem:s21+$0xFFFFFFD0] =	vst v3  }
0xe2: {  	v3 =	vld [tilespmem:s19+$0x160];
	_ =	sdelay $0x4  }
0xe3: {  	v3 =	vmul.f32 v4, v3;
	_ =	sdelay $0x1  }
0xe4: {  	[tilespmem:s21+$0xFFFFFFE0] =	vst v3  }
0xe5: {  	v3 =	vld [tilespmem:s19+$0x170];
	_ =	sdelay $0x4  }
0xe6: {  	v3 =	vmul.f32 v4, v3;
	_ =	sdelay $0x1  }
0xe7: {  	[tilespmem:s21+$0xFFFFFFF0] =	vst v3  }
0xe8: {  	v3 =	vld [tilespmem:s19+$0x180];
	_ =	sdelay $0x3  }
.Ltmp1:
0xe9: {  	(pc) =	sbr.rel @p0 .LBB2_5-.Ltmp1, $3  }
0xea: {  	v3 =	vmul.f32 v4, v3;
	_ =	sdelay $0x1  }
0xeb: {  	[tilespmem:s21+$0x0] =	vst v3  }
0xec: {  	v3 =	vld [tilespmem:s19+$0x190]  }
0xed: {  	_ =	sdelay $0x3  }
0xee: {  	v3 =	vmul.f32 v4, v3;
	_ =	sdelay $0x1  }
0xef: {  	[tilespmem:s22+$0x10] =	vst v3  }
0xf0: {  	v3 =	vld [tilespmem:s19+$0x1A0];
	_ =	sdelay $0x4  }
0xf1: {  	v3 =	vmul.f32 v3, v4;
	_ =	sdelay $0x1  }
0xf2: {  	[tilespmem:s22+$0x20] =	vst v3  }
0xf3: {  	v3 =	vld [tilespmem:s19+$0x1B0];
	_ =	sdelay $0x4  }
0xf4: {  	s18 =	sadd.s32 $0x1, s18;
	v3 =	vmul.f32 v3, v4  }
0xf5: {  	p0 =	sne.s32 s18, $0x7D;
	[tilespmem:s22+$0x40] =	vst v4  }
.Ltmp2:
0xf6: {  	[tilespmem:s22+$0x30] =	vst v3;
	(pc) =	sbr.rel @p0 .LBB2_4-.Ltmp2, $4  }
0xf7: {  	[spmem:s2] =	stream.indirect.scatter.add.f32 [tilespmem:s23], [sflag:$0x3], $0x90, s26, s26, $0xb8;
	[tilespmem:$0x1DE50] =	vst v63  }
0xf8: {  	_ =	swait.ge [sflag:s24], $0x2D00  }
0xf9: {  	[sflag:s24] =	ssyncset.done $0x0  }
0xfa: {  	[sflag:s24] =	ssyncadd.s32 $0xFFFFD300  }
0xfb: {  	s9 =	stileid.u32  }
0xfc: {  	[bflag:$0x0] =	sbarrier.arrive $0xFFFF;
	s9 =	sshll.u32 s9, $0x6  }
0xfd: {  	s17 =	sshrl.u32 s8, $0x3;
	s22 =	rddreg [dreg:$0x8];
	s25 =	sor.u32 $0x1C03, s9  }
0xfe: {  	[hbm:s22], [sflag:s25] =	dma.local [spmem:s17], $0x2BF2  }
0xff: {  	_ =	swait.ge [sflag:s24], $0x2BF2  }
0x100: {  	[sflag:s24] =	ssyncset.done $0x0  }
0x101: {  	[sflag:s24] =	ssyncadd.s32 $0xFFFFD40E  }
0x102: {  	s10 =	simm.s32 $0x240;
	s9 =	simm.s32 $0x0;
	[bflag:$0x0] =	sbarrier.arrive $0xFFFF  }
.LBB2_8:
0x103: {  	p0 =	sne.s32 s10, $0xB1C0;
	[tilespmem:s9+$0x51C0] =	vst v2  }
0x104: {  	[tilespmem:s9+$0x5140] =	vst v2  }
0x105: {  	[tilespmem:s9+$0x5150] =	vst v2  }
0x106: {  	[tilespmem:s9+$0x5160] =	vst v2  }
.Ltmp3:
0x107: {  	[tilespmem:s9+$0x5170] =	vst v2;
	(pc) =	sbr.rel @p0 .LBB2_8-.Ltmp3, $4  }
0x108: {  	[tilespmem:s9+$0x5180] =	vst v2  }
0x109: {  	[tilespmem:s9+$0x5190] =	vst v2  }
0x10a: {  	[tilespmem:s9+$0x51A0] =	vst v2  }
0x10b: {  	[tilespmem:s9+$0x51B0] =	vst v2;
	s9 =	sshra.s32 s10, $0x2;
	s10 =	sadd.s32 $0x240, s10  }
0x10c: {  	[tilespmem:s9+$0x51C0] =	vst v2  }
0x10d: {  	[tilespmem:s9+$0x5140] =	vst v2  }
0x10e: {  	[tilespmem:s9+$0x5150] =	vst v2  }
0x10f: {  	[tilespmem:s9+$0x5160] =	vst v2  }
0x110: {  	[tilespmem:s9+$0x5170] =	vst v2  }
0x111: {  	[tilespmem:s9+$0x5180] =	vst v2  }
0x112: {  	[tilespmem:s9+$0x5190] =	vst v2  }
0x113: {  	[tilespmem:s9+$0x51A0] =	vst v2  }
0x114: {  	[tilespmem:s9+$0x51B0] =	vst v2  }
0x115: {  	[spmem:s8] =	stream.linear.scatter [tilespmem:s23], [sflag:$0x3], $0x2D00, $0x38;
	[tilespmem:$0x1DE50] =	vst v63  }
0x116: {  	_ =	swait.ge [sflag:s24], $0x2D00  }
0x117: {  	[sflag:s24] =	ssyncset.done $0x0  }
0x118: {  	[sflag:s24] =	ssyncadd.s32 $0xFFFFD300  }
0x119: {  	[spmem:s11] =	stream.linear.scatter [tilespmem:s23], [sflag:$0x3], $0x2D00, $0x38;
	[tilespmem:$0x1DE50] =	vst v63  }
0x11a: {  	_ =	swait.ge [sflag:s24], $0x2D00  }
0x11b: {  	[sflag:s24] =	ssyncset.done $0x0  }
0x11c: {  	s18 =	rddreg [dreg:$0x4];
	[sflag:s24] =	ssyncadd.s32 $0xFFFFD300  }
0x11d: {  	[spmem:s18] =	stream.linear.scatter [tilespmem:s23], [sflag:$0x3], $0x2D00, $0x38;
	[tilespmem:$0x1DE50] =	vst v63  }
0x11e: {  	_ =	swait.ge [sflag:s24], $0x2D00  }
0x11f: {  	[sflag:s24] =	ssyncset.done $0x0  }
0x120: {  	s19 =	rddreg [dreg:$0x5];
	[sflag:s24] =	ssyncadd.s32 $0xFFFFD300  }
0x121: {  	[spmem:s19] =	stream.linear.scatter [tilespmem:s23], [sflag:$0x3], $0x2D00, $0x38;
	[tilespmem:$0x1DE50] =	vst v63  }
0x122: {  	_ =	swait.ge [sflag:s24], $0x2D00  }
0x123: {  	[sflag:s24] =	ssyncset.done $0x0  }
0x124: {  	s21 =	rddreg [dreg:$0x6];
	[sflag:s24] =	ssyncadd.s32 $0xFFFFD300  }
0x125: {  	[spmem:s21] =	stream.linear.scatter [tilespmem:s23], [sflag:$0x3], $0x2D00, $0x38;
	[tilespmem:$0x1DE50] =	vst v63  }
0x126: {  	_ =	swait.ge [sflag:s24], $0x2D00  }
0x127: {  	[sflag:s24] =	ssyncset.done $0x0  }
0x128: {  	[sflag:s24] =	ssyncadd.s32 $0xFFFFD300  }
0x129: {  	[spmem:s13] =	stream.linear.scatter [tilespmem:s23], [sflag:$0x3], $0x2D00, $0x38;
	[tilespmem:$0x1DE50] =	vst v63  }
0x12a: {  	_ =	swait.ge [sflag:s24], $0x2D00  }
0x12b: {  	[sflag:s24] =	ssyncset.done $0x0  }
0x12c: {  	[sflag:s24] =	ssyncadd.s32 $0xFFFFD300  }
0x12d: {  	[spmem:s14] =	stream.linear.scatter [tilespmem:s23], [sflag:$0x3], $0x2D00, $0x38;
	[tilespmem:$0x1DE50] =	vst v63  }
0x12e: {  	_ =	swait.ge [sflag:s24], $0x2D00  }
0x12f: {  	[sflag:s24] =	ssyncset.done $0x0  }
0x130: {  	[sflag:s24] =	ssyncadd.s32 $0xFFFFD300  }
0x131: {  	[spmem:s15] =	stream.linear.scatter [tilespmem:s23], [sflag:$0x3], $0x2490, $0x38;
	[tilespmem:$0x1DE50] =	vst v63  }
0x132: {  	_ =	swait.ge [sflag:s24], $0x2490  }
0x133: {  	s10 =	simm.s32 $0x7E40;
	[sflag:s24] =	ssyncset.done $0x0  }
0x134: {  	s18 =	simm.s32 $0x0;
	s22 =	rddreg [dreg:$0x9];
	[sflag:s24] =	ssyncadd.s32 $0xFFFFDB70  }
0x135: {  	[tilespmem:s10], [sflag:$0x3] =	stream.linear.gather [hbm4b:s22+s18], $0x80, $0x38;
	[tilespmem:$0x1DE50] =	vst v63  }
0x136: {  	_ =	swait.ge [sflag:s24], $0x80  }
0x137: {  	[sflag:s24] =	ssyncset.done $0x0  }
0x138: {  	[sflag:s24] =	ssyncadd.s32 $0xFFFFFF80  }
0x139: {  	s12 =	smov.u32 s11;
	s19 =	simm.s32 $0x0;
	[bflag:$0x0] =	sbarrier.arrive $0xFFFF  }
.LBB2_10:
0x13a: {  	s9 =	smul.u32 $0x50, s19;
	_ =	sdelay $0x1  }
0x13b: {  	s9 =	sadd.s32 s9, s20  }
0x13c: {  	s9 =	sshrl.u32 s9, $0x3  }
0x13d: {  	s10 =	sadd.s32 s1, s9  }
0x13e: {  	[tilespmem:s18], [sflag:$0x3] =	stream.linear.gather [hbm4b:s10+s18], $0x50, $0x38;
	[tilespmem:$0x1DE50] =	vst v63  }
0x13f: {  	_ =	swait.ge [sflag:s24], $0x50  }
0x140: {  	[sflag:s24] =	ssyncset.done $0x0  }
0x141: {  	s9 =	sadd.s32 s7, s9;
	[sflag:s24] =	ssyncadd.s32 $0xFFFFFFB0  }
0x142: {  	[tilespmem:s26], [sflag:$0x3] =	stream.linear.gather [hbm4b:s9+s18], $0x50, $0x38;
	[tilespmem:$0x1DE50] =	vst v63  }
0x143: {  	_ =	swait.ge [sflag:s24], $0x50  }
0x144: {  	[sflag:s24] =	ssyncset.done $0x0  }
0x145: {  	[sflag:s24] =	ssyncadd.s32 $0xFFFFFFB0  }
0x146: {  	v3 =	vld [tilespmem:$0x0]  }
0x147: {  	v4 =	vld [tilespmem:$0x50]  }
0x148: {  	v5 =	vld [tilespmem:$0x10]  }
0x149: {  	v6 =	vld [tilespmem:$0x60]  }
0x14a: {  	v7 =	vld [tilespmem:$0x20]  }
0x14b: {  	v8 =	vld [tilespmem:$0x70];
	v3 =	vadd.s32 v1, v3  }
0x14c: {  	[tilespmem:$0xA0] =	vst v3;
	v3 =	vadd.s32 v1, v4;
	v4 =	vld [tilespmem:$0x30]  }
0x14d: {  	[tilespmem:$0xF0] =	vst v3;
	v3 =	vadd.s32 v1, v5;
	v5 =	vld [tilespmem:$0x80]  }
0x14e: {  	[tilespmem:$0xB0] =	vst v3;
	v3 =	vadd.s32 v1, v6;
	v6 =	vld [tilespmem:$0x40]  }
0x14f: {  	[tilespmem:$0x100] =	vst v3;
	v3 =	vadd.s32 v1, v7;
	v7 =	vld [tilespmem:$0x90]  }
0x150: {  	[tilespmem:$0xC0] =	vst v3;
	v3 =	vadd.s32 v1, v8  }
0x151: {  	[tilespmem:$0x110] =	vst v3;
	v3 =	vadd.s32 v1, v4  }
0x152: {  	[tilespmem:$0xD0] =	vst v3;
	v3 =	vadd.s32 v1, v5  }
0x153: {  	[tilespmem:$0x120] =	vst v3;
	v3 =	vadd.s32 v1, v6  }
0x154: {  	[tilespmem:$0xE0] =	vst v3;
	v3 =	vadd.s32 v1, v7  }
0x155: {  	[tilespmem:$0x130] =	vst v3  }
0x156: {  	[tilespmem:s29], [sflag:$0x1] =	stream.indirect.gather [hbm4b:s5+s26], $0x80, s28, s26, $0xb8;
	[tilespmem:$0x1DE50] =	vst v63  }
0x157: {  	_ =	swait.ge [sflag:s30], $0x2800  }
0x158: {  	[sflag:s30] =	ssyncset.done $0x0  }
0x159: {  	[sflag:s30] =	ssyncadd.s32 $0xFFFFD800  }
0x15a: {  	[tilespmem:s0], [sflag:$0x2] =	stream.indirect.gather [hbm4b:s6+s26], $0x80, s31, s26, $0xb8;
	[tilespmem:$0x1DE50] =	vst v63  }
0x15b: {  	_ =	swait.ge [sflag:s4], $0x2800  }
0x15c: {  	[sflag:s4] =	ssyncset.done $0x0  }
0x15d: {  	s21 =	simm.s32 $0x0;
	[sflag:s4] =	ssyncadd.s32 $0xFFFFD800  }
0x15e: {  	v3 =	vld [tilespmem:s21+$0x2940]  }
0x15f: {  	v4 =	vld [tilespmem:s21+$0x160]  }
0x160: {  	v5 =	vld [tilespmem:s21+$0x2960]  }
0x161: {  	v6 =	vld [tilespmem:s21+$0x150]  }
0x162: {  	v7 =	vld [tilespmem:s21+$0x140]  }
0x163: {  	v43 =	vld [tilespmem:s21+$0x2950]  }
0x164: {  	v9 =	vld [tilespmem:s21+$0x2990]  }
0x165: {  	v10 =	vld [tilespmem:s21+$0x2980]  }
0x166: {  	v11 =	vld [tilespmem:s21+$0x2970]  }
0x167: {  	v12 =	vld [tilespmem:s21+$0x170]  }
0x168: {  	v44 =	vld [tilespmem:s21+$0x180]  }
0x169: {  	v46 =	vld [tilespmem:s21+$0x190];
	v3 =	vadd.f32 v3, v7  }
0x16a: {  	v6 =	vadd.f32 v43, v6  }
0x16b: {  	v13 =	vld [tilespmem:$0x7E40];
	v4 =	vadd.f32 v5, v4;
	v14 =	vmin.f32 v3, $0.0e+00  }
0x16c: {  	v16 =	vld [tilespmem:$0x7E50];
	v11 =	vadd.f32 v11, v12;
	v15 =	vmin.f32 v6, $0.0e+00;
	v5 =	vmul.f32 $2.000000030e-01, v14  }
0x16d: {  	v47 =	vld [tilespmem:s21+$0x29B0];
	v8 =	vadd.f32 v10, v44;
	v3 =	vmax.f32 v3, $0.0e+00;
	v45 =	vmul.f32 $2.000000030e-01, v15  }
0x16e: {  	v50 =	vld [tilespmem:s21+$0x29A0];
	v9 =	vadd.f32 v9, v46;
	v6 =	vmax.f32 v6, $0.0e+00;
	v3 =	vadd.f32 v5, v3  }
0x16f: {  	v17 =	vmin.f32 v4, $0.0e+00;
	v49 =	vmin.f32 v11, $0.0e+00;
	v5 =	vadd.f32 v45, v6;
	v6 =	vld [tilespmem:$0x7E60]  }
0x170: {  	v51 =	vld [tilespmem:s21+$0x1A0];
	v4 =	vmax.f32 v4, $0.0e+00;
	v48 =	vmul.f32 $2.000000030e-01, v17;
	v3 =	vmul.f32 v3, v13  }
0x171: {  	v53 =	vld [tilespmem:$0x7E70];
	v18 =	vmin.f32 v8, $0.0e+00;
	v11 =	vmax.f32 v11, $0.0e+00;
	v52 =	vmul.f32 $2.000000030e-01, v49  }
0x172: {  	v55 =	vld [tilespmem:s21+$0x1B0];
	v4 =	vadd.f32 v48, v4;
	v5 =	vmul.f32 v5, v16;
	v3 =	vadd.f32 $0.0e+00, v3  }
0x173: {  	v56 =	vld [tilespmem:$0x7E80];
	v8 =	vmax.f32 v8, $0.0e+00;
	v19 =	vmin.f32 v9, $0.0e+00;
	v54 =	vmul.f32 $2.000000030e-01, v18  }
0x174: {  	v4 =	vmul.f32 v4, v6;
	v6 =	vld [tilespmem:$0x7E90];
	v3 =	vadd.f32 v5, v3;
	v5 =	vadd.f32 v52, v11  }
0x175: {  	v10 =	vadd.f32 v50, v51;
	v57 =	vmul.f32 $2.000000030e-01, v19;
	v8 =	vadd.f32 v54, v8  }
0x176: {  	v3 =	vadd.f32 v4, v3;
	v4 =	vmul.f32 v5, v53;
	v5 =	vmax.f32 v9, $0.0e+00  }
0x177: {  	v59 =	vld [tilespmem:$0x7EA0];
	v12 =	vadd.f32 v47, v55;
	v58 =	vmin.f32 v10, $0.0e+00;
	v5 =	vadd.f32 v57, v5  }
0x178: {  	v60 =	vmul.f32 $2.000000030e-01, v58;
	v3 =	vadd.f32 v4, v3;
	v4 =	vmul.f32 v8, v56  }
0x179: {  	v62 =	vld [tilespmem:$0x7EB0];
	v61 =	vmin.f32 v12, $0.0e+00;
	v5 =	vmul.f32 v5, v6;
	v6 =	vmax.f32 v10, $0.0e+00  }
0x17a: {  	v3 =	vadd.f32 v4, v3;
	v4 =	vadd.f32 v60, v6;
	v6 =	vmul.f32 $2.000000030e-01, v61  }
0x17b: {  	v63 =	vmax.f32 v12, $0.0e+00  }
0x17c: {  	v3 =	vadd.f32 v5, v3;
	v4 =	vmul.f32 v4, v59;
	v5 =	vadd.f32 v6, v63;
	_ =	sdelay $0x1  }
0x17d: {  	v3 =	vadd.f32 v4, v3;
	v4 =	vmul.f32 v5, v62;
	_ =	sdelay $0x1  }
0x17e: {  	v3 =	vadd.f32 v4, v3;
	_ =	sdelay $0x1  }
0x17f: {  	(xrf2) =	vadd.scan.msk.f32 $0xffff, v3;
	_ =	sdelay $0x9  }
0x180: {  	v3, _, _ =	vpop (xrf2)  }
0x181: {  	v3 =	vmul.f32 $1.442695020e+00, v3;
	_ =	sdelay $0x1  }
0x182: {  	v3 =	vbroadcast v3, $0xF;
	_ =	sdelay $0x1  }
0x183: {  	(erf) = vpow2.f32 v3;
	_ =	sdelay $0x8  }
0x184: {  	v4 =	vpop (erf)  }
0x185: {  	v3 =	vmul.f32 v4, v7  }
0x186: {  	s22 =	simm.s32 $0x5180  }
0x187: {  	[tilespmem:s22+$0xFFFFFFC0] =	vst v3  }
0x188: {  	v3 =	vld [tilespmem:s21+$0x150];
	_ =	sdelay $0x4  }
0x189: {  	v3 =	vmul.f32 v4, v3;
	_ =	sdelay $0x1  }
0x18a: {  	[tilespmem:s22+$0xFFFFFFD0] =	vst v3  }
0x18b: {  	v3 =	vld [tilespmem:s21+$0x160];
	_ =	sdelay $0x4  }
0x18c: {  	v3 =	vmul.f32 v4, v3;
	_ =	sdelay $0x1  }
0x18d: {  	[tilespmem:s22+$0xFFFFFFE0] =	vst v3  }
0x18e: {  	v3 =	vld [tilespmem:s21+$0x170];
	_ =	sdelay $0x4  }
0x18f: {  	v3 =	vmul.f32 v4, v3;
	_ =	sdelay $0x1  }
0x190: {  	[tilespmem:s22+$0xFFFFFFF0] =	vst v3  }
0x191: {  	v3 =	vld [tilespmem:s21+$0x180];
	_ =	sdelay $0x4  }
0x192: {  	v3 =	vmul.f32 v4, v3;
	_ =	sdelay $0x1  }
0x193: {  	[tilespmem:s22+$0x0] =	vst v3  }
0x194: {  	s10 =	simm.s32 $0x200;
	s9 =	simm.s32 $0x5180;
	v3 =	vld [tilespmem:s21+$0x190]  }
.LBB2_11:
0x195: {  	_ = 	snop  }
0x196: {  	p0 =	sne.s32 s10, $0x9E00  }
0x197: {  	s22 =	sadd.s32 $0x90, s22;
	s11 =	smov.u32 s10;
	s10 =	sadd.s32 $0x200, s10  }
0x198: {  	_ = 	snop  }
0x199: {  	v3 =	vmul.f32 v4, v3;
	_ =	sdelay $0x1  }
0x19a: {  	[tilespmem:s9+$0x10] =	vst v3  }
0x19b: {  	s11 =	sshra.s32 s11, $0x2;
	v3 =	vld [tilespmem:s21+$0x1A0];
	_ =	sdelay $0x4  }
0x19c: {  	v3 =	vmul.f32 v3, v4;
	_ =	sdelay $0x1  }
0x19d: {  	[tilespmem:s9+$0x20] =	vst v3  }
0x19e: {  	v3 =	vld [tilespmem:s21+$0x1B0];
	s21 =	smov.u32 s11  }
0x19f: {  	[tilespmem:s9+$0x40] =	vst v4;
	_ =	sdelay $0x3  }
0x1a0: {  	v3 =	vmul.f32 v3, v4;
	_ =	sdelay $0x1  }
0x1a1: {  	[tilespmem:s9+$0x30] =	vst v3;
	s9 =	smov.u32 s22  }
0x1a2: {  	v4 =	vld [tilespmem:s21+$0x2940]  }
0x1a3: {  	v5 =	vld [tilespmem:s21+$0x160]  }
0x1a4: {  	v6 =	vld [tilespmem:s21+$0x2960]  }
0x1a5: {  	v7 =	vld [tilespmem:s21+$0x150]  }
0x1a6: {  	v3 =	vld [tilespmem:s21+$0x140]  }
0x1a7: {  	v8 =	vld [tilespmem:s21+$0x2950]  }
0x1a8: {  	v9 =	vld [tilespmem:s21+$0x2990]  }
0x1a9: {  	v5 =	vadd.f32 v6, v5;
	v6 =	vld [tilespmem:s21+$0x2980]  }
0x1aa: {  	v10 =	vld [tilespmem:s21+$0x2970]  }
0x1ab: {  	v11 =	vmin.f32 v5, $0.0e+00;
	v12 =	vld [tilespmem:s21+$0x170]  }
0x1ac: {  	v4 =	vadd.f32 v4, v3;
	v13 =	vld [tilespmem:$0x7E40];
	v7 =	vadd.f32 v8, v7;
	v8 =	vmul.f32 $2.000000030e-01, v11  }
0x1ad: {  	v11 =	vld [tilespmem:s21+$0x180]  }
0x1ae: {  	v14 =	vmin.f32 v4, $0.0e+00;
	v15 =	vmin.f32 v7, $0.0e+00;
	v16 =	vld [tilespmem:$0x7E50]  }
0x1af: {  	v14 =	vmul.f32 $2.000000030e-01, v14;
	v15 =	vmul.f32 $2.000000030e-01, v15;
	v17 =	vld [tilespmem:s21+$0x190]  }
0x1b0: {  	v4 =	vmax.f32 v4, $0.0e+00;
	v7 =	vmax.f32 v7, $0.0e+00;
	v10 =	vadd.f32 v10, v12;
	v12 =	vld [tilespmem:s21+$0x29B0]  }
0x1b1: {  	v4 =	vadd.f32 v14, v4;
	v7 =	vadd.f32 v15, v7;
	v14 =	vld [tilespmem:$0x7E60]  }
0x1b2: {  	v15 =	vmin.f32 v10, $0.0e+00;
	v6 =	vadd.f32 v6, v11;
	v11 =	vld [tilespmem:s21+$0x29A0]  }
0x1b3: {  	v5 =	vmax.f32 v5, $0.0e+00;
	v4 =	vmul.f32 v4, v13;
	v7 =	vmul.f32 v7, v16;
	v13 =	vld [tilespmem:s21+$0x1A0]  }
0x1b4: {  	v15 =	vmul.f32 $2.000000030e-01, v15;
	v16 =	vld [tilespmem:$0x7E70];
	v18 =	vmin.f32 v6, $0.0e+00;
	v9 =	vadd.f32 v9, v17  }
0x1b5: {  	v5 =	vadd.f32 v8, v5;
	v4 =	vadd.f32 $0.0e+00, v4;
	v8 =	vmul.f32 $2.000000030e-01, v18;
	v17 =	vld [tilespmem:s21+$0x1B0]  }
0x1b6: {  	v10 =	vmax.f32 v10, $0.0e+00;
	v6 =	vmax.f32 v6, $0.0e+00;
	v18 =	vld [tilespmem:$0x7E80];
	v19 =	vmin.f32 v9, $0.0e+00  }
0x1b7: {  	v4 =	vadd.f32 v7, v4;
	v5 =	vmul.f32 v5, v14;
	v7 =	vadd.f32 v15, v10;
	v10 =	vld [tilespmem:$0x7E90]  }
0x1b8: {  	v6 =	vadd.f32 v8, v6;
	v8 =	vmul.f32 $2.000000030e-01, v19;
	v11 =	vadd.f32 v11, v13  }
0x1b9: {  	v4 =	vadd.f32 v5, v4;
	v5 =	vmul.f32 v7, v16;
	v7 =	vmax.f32 v9, $0.0e+00  }
0x1ba: {  	v7 =	vadd.f32 v8, v7;
	v8 =	vmin.f32 v11, $0.0e+00;
	v9 =	vld [tilespmem:$0x7EA0];
	v12 =	vadd.f32 v12, v17  }
0x1bb: {  	v4 =	vadd.f32 v5, v4;
	v5 =	vmul.f32 v6, v18;
	v6 =	vmul.f32 $2.000000030e-01, v8  }
0x1bc: {  	v8 =	vmax.f32 v11, $0.0e+00;
	v7 =	vmul.f32 v7, v10;
	v10 =	vmin.f32 v12, $0.0e+00;
	v11 =	vld [tilespmem:$0x7EB0]  }
0x1bd: {  	v4 =	vadd.f32 v5, v4;
	v5 =	vadd.f32 v6, v8;
	v6 =	vmul.f32 $2.000000030e-01, v10  }
0x1be: {  	v8 =	vmax.f32 v12, $0.0e+00  }
0x1bf: {  	v4 =	vadd.f32 v7, v4;
	v5 =	vmul.f32 v5, v9;
	v6 =	vadd.f32 v6, v8;
	_ =	sdelay $0x1  }
0x1c0: {  	v4 =	vadd.f32 v5, v4;
	v5 =	vmul.f32 v6, v11;
	_ =	sdelay $0x1  }
0x1c1: {  	v4 =	vadd.f32 v5, v4;
	_ =	sdelay $0x1  }
0x1c2: {  	(xrf2) =	vadd.scan.msk.f32 $0xffff, v4;
	_ =	sdelay $0x9  }
0x1c3: {  	v4, _, _ =	vpop (xrf2)  }
0x1c4: {  	v4 =	vmul.f32 $1.442695020e+00, v4;
	_ =	sdelay $0x1  }
0x1c5: {  	v4 =	vbroadcast v4, $0xF;
	_ =	sdelay $0x1  }
0x1c6: {  	(erf) = vpow2.f32 v4;
	_ =	sdelay $0x8  }
0x1c7: {  	v4 =	vpop (erf)  }
0x1c8: {  	v3 =	vmul.f32 v4, v3;
	_ =	sdelay $0x1  }
0x1c9: {  	[tilespmem:s22+$0xFFFFFFC0] =	vst v3  }
0x1ca: {  	v3 =	vld [tilespmem:s21+$0x150];
	_ =	sdelay $0x4  }
0x1cb: {  	v3 =	vmul.f32 v4, v3;
	_ =	sdelay $0x1  }
0x1cc: {  	[tilespmem:s22+$0xFFFFFFD0] =	vst v3  }
0x1cd: {  	v3 =	vld [tilespmem:s21+$0x160];
	_ =	sdelay $0x4  }
0x1ce: {  	v3 =	vmul.f32 v4, v3;
	_ =	sdelay $0x1  }
0x1cf: {  	[tilespmem:s22+$0xFFFFFFE0] =	vst v3  }
0x1d0: {  	v3 =	vld [tilespmem:s21+$0x170];
	_ =	sdelay $0x4  }
0x1d1: {  	v3 =	vmul.f32 v4, v3;
	_ =	sdelay $0x1  }
0x1d2: {  	[tilespmem:s22+$0xFFFFFFF0] =	vst v3  }
0x1d3: {  	v3 =	vld [tilespmem:s21+$0x180];
	_ =	sdelay $0x3  }
.Ltmp4:
0x1d4: {  	(pc) =	sbr.rel @p0 .LBB2_11-.Ltmp4, $3  }
0x1d5: {  	v3 =	vmul.f32 v4, v3;
	_ =	sdelay $0x1  }
0x1d6: {  	[tilespmem:s22+$0x0] =	vst v3  }
0x1d7: {  	v3 =	vld [tilespmem:s21+$0x190]  }
0x1d8: {  	_ =	sdelay $0x3  }
0x1d9: {  	v3 =	vmul.f32 v4, v3;
	_ =	sdelay $0x1  }
0x1da: {  	[tilespmem:s9+$0x10] =	vst v3  }
0x1db: {  	v3 =	vld [tilespmem:s21+$0x1A0];
	_ =	sdelay $0x4  }
0x1dc: {  	v3 =	vmul.f32 v3, v4;
	_ =	sdelay $0x1  }
0x1dd: {  	[tilespmem:s9+$0x20] =	vst v3  }
0x1de: {  	v3 =	vld [tilespmem:s21+$0x1B0];
	_ =	sdelay $0x4  }
0x1df: {  	s19 =	sadd.s32 $0x1, s19;
	v3 =	vmul.f32 v3, v4  }
0x1e0: {  	p0 =	sne.s32 s19, $0x7D;
	[tilespmem:s9+$0x40] =	vst v4  }
.Ltmp5:
0x1e1: {  	[tilespmem:s9+$0x30] =	vst v3;
	(pc) =	sbr.rel @p0 .LBB2_10-.Ltmp5, $4  }
0x1e2: {  	[spmem:s2] =	stream.indirect.scatter.add.f32 [tilespmem:s23], [sflag:$0x3], $0x90, s26, s26, $0xb8;
	[tilespmem:$0x1DE50] =	vst v63  }
0x1e3: {  	_ =	swait.ge [sflag:s24], $0x2D00  }
0x1e4: {  	[sflag:s24] =	ssyncset.done $0x0  }
0x1e5: {  	[sflag:s24] =	ssyncadd.s32 $0xFFFFD300  }
0x1e6: {  	[bflag:$0x0] =	sbarrier.arrive $0xFFFF  }
0x1e7: {  	s9 =	rddreg [dreg:$0xa]  }
0x1e8: {  	[hbm:s9], [sflag:s25] =	dma.local [spmem:s17], $0x2BF2  }
0x1e9: {  	_ =	swait.ge [sflag:s24], $0x2BF2  }
0x1ea: {  	s3 =	sadd.s32 $0x1, s3;
	s25 =	rddreg [dreg:$0xb]  }
0x1eb: {  	p0 =	sne.s32 s3, s25  }
.Ltmp6:
0x1ec: {  	_ = 	snop;
	(pc) =	sbr.rel @p0 .LBB2_1-.Ltmp6, $4  }
0x1ed: {  	[sflag:s24] =	ssyncset.done $0x0  }
0x1ee: {  	[sflag:s24] =	ssyncadd.s32 $0xFFFFD40E  }
0x1ef: {  	[bflag:$0x0] =	sbarrier.arrive $0xFFFF  }
0x1f0: {  	s11 =	smov.u32 s12  }
0x1f1: {  	_ =	sfence.sel $0x180000  }
0x1f2: {  	[bflag:$0x0] =	sbarrier.arrive $0xFFFF  }
0x1f3: {  	_ =	strace $0x90000047  }
0x1f4: {  	s0 =	stileid.u32;
	[bflag:$0x2] =	sbarrier.arrive $0xFFFF  }
0x1f5: {  	p0 =	sne.s32 s0, $0x0;
	s0 =	rddreg [dreg:$0x3]  }
0x1f6: {  	s0 =	sadd.s32 @!p0 $0x100000, s0  }
0x1f7: {  	[sflag:s0] =	ssyncadd.tile.s32 @!p0 $0x1;
	_ =	shalt  }
.Lfunc_end2:
_tile_overlayer_lowered:
.L_overlay_start_2:
0x1f8: {  	(tag) =	ssettag $0x2  }
0x1f9: {  	s0 =	rddreg [dreg:$0x0];
	s2 =	stileid.u32  }
0x1fa: {  	s1 =	rddreg [dreg:$0x1];
	p0 =	sne.s32 s2, $0x0  }
0x1fb: {  	s3 =	rddreg [dreg:$0x2];
	[bflag:$0x3] =	sbarrier.arrive $0xFFFF;
	s2 =	simm.s32 @!p0 $0x1C03  }
0x1fc: {  	[timem:s3], [sflag:s2] =	dma.local @!p0 [hbm:s0], s1  }
0x1fd: {  	s0 =	simm.s32 @!p0 $0x3  }
0x1fe: {  	_ =	swait.ge @!p0 [sflag:s0], s1  }
0x1ff: {  	s1 =	ssub.s32 @!p0 $0x0, s1;
	[sflag:s0] =	ssyncset.done @!p0 $0x0  }
0x200: {  	[sflag:s0] =	ssyncadd.s32 @!p0 s1  }
0x201: {  	[bflag:$0x3] =	sbarrier.arrive $0xFFFF  }
0x202: {  	_ =	shalt  }

</sc_bundles>
